<compile_context>
chip_gen: v7x
topology: tpu7x:2x2x1
jax: 0.10.2.dev20260603
libtpu: 0.0.44.dev20260713+nightly
codegen_flags: <defaults>
</compile_context>

<pallas_src>
import functools

import jax
import jax.numpy as jnp
from jax import lax
from jax.experimental import pallas as pl
from jax.experimental.pallas import tpu as pltpu
from jax.experimental.pallas import tpu_sc as plsc

N_NODES = 50000
N_EDGES = 800000
HID = 128
LANES = 16

CB = 4096
CBT = 16384
E_PAD = 819200
NBLK = E_PAD // CB
NBIG = 8
CN = 4096


def _sc_gather(px, py, s_idx, r_idx):
    mesh = plsc.VectorSubcoreMesh(core_axis_name="c", subcore_axis_name="s")

    @functools.partial(
        pl.kernel,
        out_type=(
            jax.ShapeDtypeStruct((E_PAD,), jnp.float32),
            jax.ShapeDtypeStruct((E_PAD,), jnp.float32),
        ),
        mesh=mesh,
        scratch_types=[
            pltpu.VMEM((N_NODES,), jnp.float32),
            pltpu.VMEM((N_NODES,), jnp.float32),
            pltpu.VMEM((CB,), jnp.int32),
            pltpu.VMEM((CB,), jnp.int32),
            pltpu.VMEM((CB,), jnp.float32),
            pltpu.VMEM((CB,), jnp.float32),
        ],
        compiler_params=pltpu.CompilerParams(needs_layout_passes=False),
    )
    def gather_kernel(px_hbm, py_hbm, s_hbm, r_hbm, dx_hbm, dy_hbm,
                      px_v, py_v, sv, rv, dxb, dyb):
        wid = lax.axis_index("s") * 2 + lax.axis_index("c")
        pltpu.sync_copy(px_hbm, px_v)
        pltpu.sync_copy(py_hbm, py_v)
        nb_w = jnp.where(wid < NBIG, 7, 6)
        b0 = jnp.where(wid < NBIG, 7 * wid, 7 * NBIG + 6 * (wid - NBIG))

        def chunk_body(ch, _):
            base = (b0 + ch) * CB
            pltpu.sync_copy(s_hbm.at[pl.ds(base, CB)], sv)
            pltpu.sync_copy(r_hbm.at[pl.ds(base, CB)], rv)

            @plsc.parallel_loop(0, CB // LANES, unroll=8)
            def vec_body(k):
                o = k * LANES
                si = sv[pl.ds(o, LANES)]
                ri = rv[pl.ds(o, LANES)]
                dxb[pl.ds(o, LANES)] = (plsc.load_gather(px_v, [si])
                                        - plsc.load_gather(px_v, [ri]))
                dyb[pl.ds(o, LANES)] = (plsc.load_gather(py_v, [si])
                                        - plsc.load_gather(py_v, [ri]))
            pltpu.sync_copy(dxb, dx_hbm.at[pl.ds(base, CB)])
            pltpu.sync_copy(dyb, dy_hbm.at[pl.ds(base, CB)])
            return 0

        lax.fori_loop(0, nb_w, chunk_body, 0)

    return gather_kernel(px, py, s_idx, r_idx)


def _edge_mlp_body(dxl_ref, dyl_ref, gmat_ref, w2_ref, nb2_ref,
                   w3_ref, b3_ref, g_ref, beta_ref, onesd_ref, out_ref):
    bf16 = jnp.bfloat16
    nj = 4096 // HID
    parts = []
    for half in range(CBT // 4096):
        r0 = half * (4096 // HID)
        dxt = jnp.transpose(dxl_ref[r0:r0 + nj, :], (1, 0))
        dyt = jnp.transpose(dyl_ref[r0:r0 + nj, :], (1, 0))
        nrmt = jnp.sqrt(dxt * dxt + dyt * dyt)
        S = jnp.concatenate(
            [dxt, dyt, nrmt, jnp.ones((HID, nj), jnp.float32)],
            axis=1).astype(bf16)
        H = jnp.dot(S, gmat_ref[...],
                    preferred_element_type=jnp.float32)
        H = jnp.maximum(H, 0.0).astype(bf16)
        parts.extend(H[:, j * HID:(j + 1) * HID] for j in range(nj))
    h = jnp.concatenate(parts, axis=0)
    h = jnp.dot(h, w2_ref[...], preferred_element_type=jnp.float32)
    h = jnp.maximum(h, nb2_ref[...]).astype(bf16)
    d = jnp.dot(h, w3_ref[...],
                preferred_element_type=jnp.float32) + b3_ref[...]
    db = d.astype(bf16)
    var = jnp.dot(db * db, onesd_ref[...],
                  preferred_element_type=jnp.float32)
    out_ref[...] = g_ref[...] * (d * lax.rsqrt(var + 1e-5)) + beta_ref[...]


def _node_mlp_body(v_ref, w1_ref, b1_ref, w2_ref, nb2_ref,
                   w3_ref, b3_ref, g_ref, beta_ref, onesd_ref, out_ref):
    bf16 = jnp.bfloat16
    h = (jnp.dot(v_ref[...], w1_ref[...], preferred_element_type=jnp.float32)
         + b1_ref[...])
    h = jnp.maximum(h, 0.0).astype(bf16)
    h = jnp.dot(h, w2_ref[...], preferred_element_type=jnp.float32)
    h = jnp.maximum(h, nb2_ref[...]).astype(bf16)
    d = jnp.dot(h, w3_ref[...],
                preferred_element_type=jnp.float32) + b3_ref[...]
    db = d.astype(bf16)
    var = jnp.dot(db * db, onesd_ref[...],
                  preferred_element_type=jnp.float32)
    out_ref[...] = g_ref[...] * (d * lax.rsqrt(var + 1e-5)) + beta_ref[...]


def _const_spec(shape):
    return pl.BlockSpec(shape, lambda i: tuple(0 for _ in shape))


def kernel(mesh_pos, edges, node_type, state_hat, parameters,
           fv_W1, fv_b1, fv_W2, fv_b2, fv_W3, fv_b3, fv_ln_g, fv_ln_b,
           fe_W1, fe_b1, fe_W2, fe_b2, fe_W3, fe_b3, fe_ln_g, fe_ln_b):
    f32 = jnp.float32
    bf16 = jnp.bfloat16
    inv = f32(1.0 / (1.0 + 1e-8))
    row = lambda v: v.reshape(1, HID)
    onesd = jnp.full((HID, HID), 1.0 / HID, bf16)

    px = mesh_pos[0, :, 0]
    py = mesh_pos[0, :, 1]
    s_idx = jnp.pad(edges[0, :, 0], (0, E_PAD - N_EDGES))
    r_idx = jnp.pad(edges[0, :, 1], (0, E_PAD - N_EDGES))
    fe_W3c = (fe_W3 - jnp.mean(fe_W3, axis=1, keepdims=True)).astype(bf16)
    fe_b3c = fe_b3 - jnp.mean(fe_b3)
    fv_W3c = (fv_W3 - jnp.mean(fv_W3, axis=1, keepdims=True)).astype(bf16)
    fv_b3c = fv_b3 - jnp.mean(fv_b3)
    fe_b3p = fe_b3c + (fe_b2.astype(bf16) @ fe_W3c).astype(f32)
    fv_b3p = fv_b3c + (fv_b2.astype(bf16) @ fv_W3c).astype(f32)

    nj = 4096 // HID
    W1e = jnp.concatenate([fe_W1 * inv, row(fe_b1)], axis=0)
    gmat = (jnp.eye(nj, dtype=f32)[None, :, :, None]
            * W1e[:, None, None, :]).reshape(4 * nj, nj * HID).astype(bf16)

    dxl, dyl = _sc_gather(px, py, s_idx, r_idx)
    dxl = dxl.reshape(E_PAD // HID, HID)
    dyl = dyl.reshape(E_PAD // HID, HID)

    grid_e = (N_EDGES + CBT - 1) // CBT
    eout = pl.pallas_call(
        _edge_mlp_body,
        grid=(grid_e,),
        in_specs=[
            pl.BlockSpec((CBT // HID, HID), lambda i: (i, 0)),
            pl.BlockSpec((CBT // HID, HID), lambda i: (i, 0)),
            _const_spec((HID, 4096)),
            _const_spec((HID, HID)),
            _const_spec((1, HID)),
            _const_spec((HID, HID)),
            _const_spec((1, HID)),
            _const_spec((1, HID)),
            _const_spec((1, HID)),
            _const_spec((HID, HID)),
        ],
        out_specs=pl.BlockSpec((CBT, HID), lambda i: (i, 0)),
        out_shape=jax.ShapeDtypeStruct((N_EDGES, HID), f32),
    )(dxl, dyl, gmat, fe_W2.astype(bf16), -row(fe_b2),
      fe_W3c, row(fe_b3p), row(fe_ln_g), row(fe_ln_b), onesd)

    V = jnp.concatenate([state_hat[0], node_type[0], parameters[0]], axis=-1)
    grid_n = (N_NODES + CN - 1) // CN
    vout = pl.pallas_call(
        _node_mlp_body,
        grid=(grid_n,),
        in_specs=[
            pl.BlockSpec((CN, 16), lambda i: (i, 0)),
            _const_spec((16, HID)),
            _const_spec((1, HID)),
            _const_spec((HID, HID)),
            _const_spec((1, HID)),
            _const_spec((HID, HID)),
            _const_spec((1, HID)),
            _const_spec((1, HID)),
            _const_spec((1, HID)),
            _const_spec((HID, HID)),
        ],
        out_specs=pl.BlockSpec((CN, HID), lambda i: (i, 0)),
        out_shape=jax.ShapeDtypeStruct((N_NODES, HID), f32),
    )(V, fv_W1 * inv, row(fv_b1), fv_W2.astype(bf16), -row(fv_b2),
      fv_W3c, row(fv_b3p), row(fv_ln_g), row(fv_ln_b), onesd)

    return (vout.reshape(1, N_NODES, HID), eout.reshape(1, N_EDGES, HID))

# --- scband reference (transcript-rebuilt; emitter-appended) ---
"""Pipeline reference for scband-encoder-64278480552466 (READ-ONLY COPY).

The authoritative reference and input builder live on the scoring server;
editing this copy changes nothing except your own understanding.
"""

import jax, jax.numpy as jnp
import numpy as np

B = 1
N_NODES = 50000
N_EDGES = 800000
STATE = 3
PARAM = 4
NODE_IN = 9 + STATE + PARAM
EDGE_IN = 3
HID = 128


def _linear_init(key, i, o):
    W = jax.random.normal(key, (i, o), jnp.float32) / np.sqrt(i)
    b = jnp.zeros((o,), jnp.float32)
    return W, b


def setup_inputs(seed: int = 0) -> dict:
    key = jax.random.key(seed)
    ks = jax.random.split(key, 16)
    inp = {}
    inp['mesh_pos'] = jax.random.uniform(ks[0], (B, N_NODES, 2), jnp.float32)
    inp['edges'] = jax.random.randint(ks[1], (B, N_EDGES, 2), 0, N_NODES)
    inp['node_type'] = jax.random.uniform(ks[2], (B, N_NODES, 9), jnp.float32)
    inp['state_hat'] = jax.random.normal(ks[3], (B, N_NODES, STATE), jnp.float32)
    inp['parameters'] = jax.random.normal(ks[4], (B, N_NODES, PARAM), jnp.float32)
    inp['fv_W1'], inp['fv_b1'] = _linear_init(ks[5], NODE_IN, HID)
    inp['fv_W2'], inp['fv_b2'] = _linear_init(ks[6], HID, HID)
    inp['fv_W3'], inp['fv_b3'] = _linear_init(ks[7], HID, HID)
    inp['fv_ln_g'] = jnp.ones((HID,), jnp.float32)
    inp['fv_ln_b'] = jnp.zeros((HID,), jnp.float32)
    inp['fe_W1'], inp['fe_b1'] = _linear_init(ks[8], EDGE_IN, HID)
    inp['fe_W2'], inp['fe_b2'] = _linear_init(ks[9], HID, HID)
    inp['fe_W3'], inp['fe_b3'] = _linear_init(ks[10], HID, HID)
    inp['fe_ln_g'] = jnp.ones((HID,), jnp.float32)
    inp['fe_ln_b'] = jnp.zeros((HID,), jnp.float32)
    return inp


def _mlp(x, W1, b1, W2, b2, W3, b3, g, beta):
    h = jax.nn.relu(x @ W1 + b1)
    h = jax.nn.relu(h @ W2 + b2)
    h = h @ W3 + b3
    mu = jnp.mean(h, axis=-1, keepdims=True)
    var = jnp.mean((h - mu) ** 2, axis=-1, keepdims=True)
    return g * (h - mu) / jnp.sqrt(var + 1e-5) + beta


def _normalize(x):
    # Normalizer in eval mode: mean=0, std=1 buffers
    return (x - 0.0) / (1.0 + 1e-08)


def reference(mesh_pos, edges, node_type, state_hat, parameters,
              fv_W1, fv_b1, fv_W2, fv_b2, fv_W3, fv_b3, fv_ln_g, fv_ln_b,
              fe_W1, fe_b1, fe_W2, fe_b2, fe_W3, fe_b3, fe_ln_g, fe_ln_b):
    V = jnp.concatenate([state_hat, node_type, parameters], axis=-1)
    s_idx = jnp.broadcast_to(edges[..., 0:1], edges.shape[:-1] + (2,))
    r_idx = jnp.broadcast_to(edges[..., 1:2], edges.shape[:-1] + (2,))
    senders = jnp.take_along_axis(mesh_pos, s_idx, axis=-2)
    receivers = jnp.take_along_axis(mesh_pos, r_idx, axis=-2)
    distance = senders - receivers
    norm = jnp.sqrt(jnp.sum(distance ** 2, axis=-1, keepdims=True))
    Ef = jnp.concatenate([distance, norm], axis=-1)
    Vout = _mlp(_normalize(V), fv_W1, fv_b1, fv_W2, fv_b2, fv_W3, fv_b3, fv_ln_g, fv_ln_b)
    Eout = _mlp(_normalize(Ef), fe_W1, fe_b1, fe_W2, fe_b2, fe_W3, fe_b3, fe_ln_g, fe_ln_b)
    return (Vout, Eout)

if __name__ == "__main__":
    import jax
    _d = setup_inputs()
    print(jax.jit(kernel)(*tuple(_d.values())))

</pallas_src>

<mosaic_0001>
#map = affine_map<(d0, d1) -> (0)>
module attributes {stable_mosaic.version = 14 : i64} {
  func.func @gather_kernel(%arg0: i32, %arg1: i32, %arg2: memref<50000xf32, #tpu.memory_space<hbm>>, %arg3: memref<50000xf32, #tpu.memory_space<hbm>>, %arg4: memref<819200xi32, #tpu.memory_space<hbm>>, %arg5: memref<819200xi32, #tpu.memory_space<hbm>>, %arg6: memref<819200xf32, #tpu.memory_space<hbm>>, %arg7: memref<819200xf32, #tpu.memory_space<hbm>>, %arg8: memref<50000xf32, #tpu.memory_space<vmem>>, %arg9: memref<50000xf32, #tpu.memory_space<vmem>>, %arg10: memref<4096xi32, #tpu.memory_space<vmem>>, %arg11: memref<4096xi32, #tpu.memory_space<vmem>>, %arg12: memref<4096xf32, #tpu.memory_space<vmem>>, %arg13: memref<4096xf32, #tpu.memory_space<vmem>>) attributes {dimension_semantics = [#tpu.dimension_semantics<core_parallel>, #tpu.dimension_semantics<subcore_parallel>], iteration_bounds = array<i64: 2, 16>, scalar_prefetch = 0 : i64, scratch_operands = 6 : i64, tpu.core_type = #tpu.core_type<sc_vector_subcore>, window_params = [{transform_indices = #map}, {transform_indices = #map}, {transform_indices = #map}, {transform_indices = #map}, {transform_indices = #map}, {transform_indices = #map}]} {
    %mul3A = arith.constant 2 : i32
    %mul3A_0 = arith.muli %arg1, %mul3A : i32
    %add3A = arith.addi %mul3A_0, %arg0 : i32
    "tpu.region"() ({
      %run_scoped3A = tpu.sem_alloc : memref<!tpu.dma_semaphore, #tpu.memory_space<semaphore_mem>>
      tpu.enqueue_dma source(%arg2 : memref<50000xf32, #tpu.memory_space<hbm>>) target(%arg8 : memref<50000xf32, #tpu.memory_space<vmem>>) target_semaphore(%run_scoped3A : memref<!tpu.dma_semaphore, #tpu.memory_space<semaphore_mem>>)
      tpu.wait_dma2 semaphore(%run_scoped3A : memref<!tpu.dma_semaphore, #tpu.memory_space<semaphore_mem>>) src(%arg2 : memref<50000xf32, #tpu.memory_space<hbm>>) dst(%arg8 : memref<50000xf32, #tpu.memory_space<vmem>>)
      tpu.yield
    }) : () -> ()
    "tpu.region"() ({
      %run_scoped3A = tpu.sem_alloc : memref<!tpu.dma_semaphore, #tpu.memory_space<semaphore_mem>>
      tpu.enqueue_dma source(%arg3 : memref<50000xf32, #tpu.memory_space<hbm>>) target(%arg9 : memref<50000xf32, #tpu.memory_space<vmem>>) target_semaphore(%run_scoped3A : memref<!tpu.dma_semaphore, #tpu.memory_space<semaphore_mem>>)
      tpu.wait_dma2 semaphore(%run_scoped3A : memref<!tpu.dma_semaphore, #tpu.memory_space<semaphore_mem>>) src(%arg3 : memref<50000xf32, #tpu.memory_space<hbm>>) dst(%arg9 : memref<50000xf32, #tpu.memory_space<vmem>>)
      tpu.yield
    }) : () -> ()
    %lt3A = arith.constant 8 : i32
    %lt3A_1 = arith.cmpi slt, %add3A, %lt3A : i32
    %jit3A = arith.constant 7 : i32
    %jit3A_2 = arith.constant 6 : i32
    %select_n3A = arith.select %lt3A_1, %jit3A, %jit3A_2 : i32
    %lt3A_3 = arith.constant 8 : i32
    %lt3A_4 = arith.cmpi slt, %add3A, %lt3A_3 : i32
    %mul3A_5 = arith.constant 7 : i32
    %mul3A_6 = arith.muli %mul3A_5, %add3A : i32
    %sub3A = arith.constant 8 : i32
    %sub3A_7 = arith.subi %add3A, %sub3A : i32
    %mul3A_8 = arith.constant 6 : i32
    %mul3A_9 = arith.muli %mul3A_8, %sub3A_7 : i32
    %add3A_10 = arith.constant 56 : i32
    %add3A_11 = arith.addi %add3A_10, %mul3A_9 : i32
    %select_n3A_12 = arith.select %lt3A_4, %mul3A_6, %add3A_11 : i32
    %while3A = arith.constant 0 : i32
    %while3A_13 = arith.constant 0 : i32
    %while3A_14 = arith.subi %select_n3A, %while3A : i32
    %while3A_15 = arith.addi %while3A, %while3A_14 : i32
    %while3A_16 = arith.constant 1 : i32
    %while3A_17 = arith.divsi %while3A_14, %while3A_16 : i32
    %while3A_18 = arith.muli %while3A_17, %while3A_16 : i32
    %while3A_19 = arith.addi %while3A, %while3A_18 : i32
    %while3A_20 = arith.constant 1 : i32
    %while3A_21 = scf.for %while3A_24 = %while3A to %while3A_19 step %while3A_20 iter_args(%while3A_25 = %while3A_13) -> (i32)  : i32 {
      %add3A_26 = arith.addi %select_n3A_12, %while3A_24 : i32
      %mul3A_27 = arith.constant 4096 : i32
      %mul3A_28 = arith.muli %add3A_26, %mul3A_27 : i32
      "tpu.region"() ({
        %run_scoped3A = tpu.sem_alloc : memref<!tpu.dma_semaphore, #tpu.memory_space<semaphore_mem>>
        %dma_start3A = tpu.memref_slice %arg4[%mul3A_28] : memref<819200xi32, #tpu.memory_space<hbm>> -> memref<4096xi32, #tpu.memory_space<hbm>>
        %dma_start3A_32 = tpu.memref_slice %arg4[%mul3A_28] : memref<819200xi32, #tpu.memory_space<hbm>> -> memref<4096xi32, #tpu.memory_space<hbm>>
        tpu.enqueue_dma source(%dma_start3A_32 : memref<4096xi32, #tpu.memory_space<hbm>>) target(%arg10 : memref<4096xi32, #tpu.memory_space<vmem>>) target_semaphore(%run_scoped3A : memref<!tpu.dma_semaphore, #tpu.memory_space<semaphore_mem>>)
        %dma_wait3A = tpu.memref_slice %arg4[%mul3A_28] : memref<819200xi32, #tpu.memory_space<hbm>> -> memref<4096xi32, #tpu.memory_space<hbm>>
        %dma_wait3A_33 = tpu.memref_slice %arg4[%mul3A_28] : memref<819200xi32, #tpu.memory_space<hbm>> -> memref<4096xi32, #tpu.memory_space<hbm>>
        tpu.wait_dma2 semaphore(%run_scoped3A : memref<!tpu.dma_semaphore, #tpu.memory_space<semaphore_mem>>) src(%dma_wait3A_33 : memref<4096xi32, #tpu.memory_space<hbm>>) dst(%arg10 : memref<4096xi32, #tpu.memory_space<vmem>>)
        tpu.yield
      }) : () -> ()
      "tpu.region"() ({
        %run_scoped3A = tpu.sem_alloc : memref<!tpu.dma_semaphore, #tpu.memory_space<semaphore_mem>>
        %dma_start3A = tpu.memref_slice %arg5[%mul3A_28] : memref<819200xi32, #tpu.memory_space<hbm>> -> memref<4096xi32, #tpu.memory_space<hbm>>
        %dma_start3A_32 = tpu.memref_slice %arg5[%mul3A_28] : memref<819200xi32, #tpu.memory_space<hbm>> -> memref<4096xi32, #tpu.memory_space<hbm>>
        tpu.enqueue_dma source(%dma_start3A_32 : memref<4096xi32, #tpu.memory_space<hbm>>) target(%arg11 : memref<4096xi32, #tpu.memory_space<vmem>>) target_semaphore(%run_scoped3A : memref<!tpu.dma_semaphore, #tpu.memory_space<semaphore_mem>>)
        %dma_wait3A = tpu.memref_slice %arg5[%mul3A_28] : memref<819200xi32, #tpu.memory_space<hbm>> -> memref<4096xi32, #tpu.memory_space<hbm>>
        %dma_wait3A_33 = tpu.memref_slice %arg5[%mul3A_28] : memref<819200xi32, #tpu.memory_space<hbm>> -> memref<4096xi32, #tpu.memory_space<hbm>>
        tpu.wait_dma2 semaphore(%run_scoped3A : memref<!tpu.dma_semaphore, #tpu.memory_space<semaphore_mem>>) src(%dma_wait3A_33 : memref<4096xi32, #tpu.memory_space<hbm>>) dst(%arg11 : memref<4096xi32, #tpu.memory_space<vmem>>)
        tpu.yield
      }) : () -> ()
      %parallel_loop3A = arith.constant 0 : i32
      %parallel_loop3A_29 = arith.constant 256 : i32
      %parallel_loop3A_30 = arith.constant 1 : i32
      scf.for %parallel_loop3A_32 = %parallel_loop3A to %parallel_loop3A_29 step %parallel_loop3A_30  : i32 {
        %parallel_loop3A_33 = arith.constant 16 : i32
        %parallel_loop3A_34 = arith.muli %parallel_loop3A_32, %parallel_loop3A_33 : i32
        %parallel_loop3A_35 = arith.index_cast %parallel_loop3A_34 : i32 to index
        %parallel_loop3A_36 = tpu.vector_load %arg10[%parallel_loop3A_35] {strides = array<i32>} : memref<4096xi32, #tpu.memory_space<vmem>>, vector<16xi32>,
        %parallel_loop3A_37 = arith.index_cast %parallel_loop3A_34 : i32 to index
        %parallel_loop3A_38 = tpu.vector_load %arg11[%parallel_loop3A_37] {strides = array<i32>} : memref<4096xi32, #tpu.memory_space<vmem>>, vector<16xi32>,
        %parallel_loop3A_39 = tpu.vector_load_idx %arg8[%parallel_loop3A_36] : memref<50000xf32, #tpu.memory_space<vmem>>[vector<16xi32>], vector<16xf32>,
        %parallel_loop3A_40 = tpu.vector_load_idx %arg8[%parallel_loop3A_38] : memref<50000xf32, #tpu.memory_space<vmem>>[vector<16xi32>], vector<16xf32>,
        %parallel_loop3A_41 = arith.subf %parallel_loop3A_39, %parallel_loop3A_40 : vector<16xf32>
        %parallel_loop3A_42 = arith.index_cast %parallel_loop3A_34 : i32 to index
        %parallel_loop3A_43 = tpu.vector_load %arg12[%parallel_loop3A_42] {strides = array<i32>} : memref<4096xf32, #tpu.memory_space<vmem>>, vector<16xf32>,
        tpu.vector_store %arg12[%parallel_loop3A_42], %parallel_loop3A_41 {strides = array<i32>} : memref<4096xf32, #tpu.memory_space<vmem>>, vector<16xf32>,
        %parallel_loop3A_44 = tpu.vector_load_idx %arg9[%parallel_loop3A_36] : memref<50000xf32, #tpu.memory_space<vmem>>[vector<16xi32>], vector<16xf32>,
        %parallel_loop3A_45 = tpu.vector_load_idx %arg9[%parallel_loop3A_38] : memref<50000xf32, #tpu.memory_space<vmem>>[vector<16xi32>], vector<16xf32>,
        %parallel_loop3A_46 = arith.subf %parallel_loop3A_44, %parallel_loop3A_45 : vector<16xf32>
        %parallel_loop3A_47 = arith.index_cast %parallel_loop3A_34 : i32 to index
        %parallel_loop3A_48 = tpu.vector_load %arg13[%parallel_loop3A_47] {strides = array<i32>} : memref<4096xf32, #tpu.memory_space<vmem>>, vector<16xf32>,
        tpu.vector_store %arg13[%parallel_loop3A_47], %parallel_loop3A_46 {strides = array<i32>} : memref<4096xf32, #tpu.memory_space<vmem>>, vector<16xf32>,
      } {sc.loop_unroll_factor = 8 : i64, sc.parallel_access}
      "tpu.region"() ({
        %run_scoped3A = tpu.sem_alloc : memref<!tpu.dma_semaphore, #tpu.memory_space<semaphore_mem>>
        %dma_start3A = tpu.memref_slice %arg6[%mul3A_28] : memref<819200xf32, #tpu.memory_space<hbm>> -> memref<4096xf32, #tpu.memory_space<hbm>>
        %dma_start3A_32 = tpu.memref_slice %arg6[%mul3A_28] : memref<819200xf32, #tpu.memory_space<hbm>> -> memref<4096xf32, #tpu.memory_space<hbm>>
        tpu.enqueue_dma source(%arg12 : memref<4096xf32, #tpu.memory_space<vmem>>) target(%dma_start3A_32 : memref<4096xf32, #tpu.memory_space<hbm>>) target_semaphore(%run_scoped3A : memref<!tpu.dma_semaphore, #tpu.memory_space<semaphore_mem>>)
        %dma_wait3A = tpu.memref_slice %arg6[%mul3A_28] : memref<819200xf32, #tpu.memory_space<hbm>> -> memref<4096xf32, #tpu.memory_space<hbm>>
        %dma_wait3A_33 = tpu.memref_slice %arg6[%mul3A_28] : memref<819200xf32, #tpu.memory_space<hbm>> -> memref<4096xf32, #tpu.memory_space<hbm>>
        tpu.wait_dma2 semaphore(%run_scoped3A : memref<!tpu.dma_semaphore, #tpu.memory_space<semaphore_mem>>) src(%arg12 : memref<4096xf32, #tpu.memory_space<vmem>>) dst(%dma_wait3A_33 : memref<4096xf32, #tpu.memory_space<hbm>>)
        tpu.yield
      }) : () -> ()
      "tpu.region"() ({
        %run_scoped3A = tpu.sem_alloc : memref<!tpu.dma_semaphore, #tpu.memory_space<semaphore_mem>>
        %dma_start3A = tpu.memref_slice %arg7[%mul3A_28] : memref<819200xf32, #tpu.memory_space<hbm>> -> memref<4096xf32, #tpu.memory_space<hbm>>
        %dma_start3A_32 = tpu.memref_slice %arg7[%mul3A_28] : memref<819200xf32, #tpu.memory_space<hbm>> -> memref<4096xf32, #tpu.memory_space<hbm>>
        tpu.enqueue_dma source(%arg13 : memref<4096xf32, #tpu.memory_space<vmem>>) target(%dma_start3A_32 : memref<4096xf32, #tpu.memory_space<hbm>>) target_semaphore(%run_scoped3A : memref<!tpu.dma_semaphore, #tpu.memory_space<semaphore_mem>>)
        %dma_wait3A = tpu.memref_slice %arg7[%mul3A_28] : memref<819200xf32, #tpu.memory_space<hbm>> -> memref<4096xf32, #tpu.memory_space<hbm>>
        %dma_wait3A_33 = tpu.memref_slice %arg7[%mul3A_28] : memref<819200xf32, #tpu.memory_space<hbm>> -> memref<4096xf32, #tpu.memory_space<hbm>>
        tpu.wait_dma2 semaphore(%run_scoped3A : memref<!tpu.dma_semaphore, #tpu.memory_space<semaphore_mem>>) src(%arg13 : memref<4096xf32, #tpu.memory_space<vmem>>) dst(%dma_wait3A_33 : memref<4096xf32, #tpu.memory_space<hbm>>)
        tpu.yield
      }) : () -> ()
      %while3A_31 = arith.constant 0 : i32
      scf.yield %while3A_31 : i32
    }
    %while3A_22 = arith.constant 1 : i32
    %while3A_23 = scf.for %while3A_24 = %while3A_19 to %while3A_15 step %while3A_22 iter_args(%while3A_25 = %while3A_21) -> (i32)  : i32 {
      %add3A_26 = arith.addi %select_n3A_12, %while3A_24 : i32
      %mul3A_27 = arith.constant 4096 : i32
      %mul3A_28 = arith.muli %add3A_26, %mul3A_27 : i32
      "tpu.region"() ({
        %run_scoped3A = tpu.sem_alloc : memref<!tpu.dma_semaphore, #tpu.memory_space<semaphore_mem>>
        %dma_start3A = tpu.memref_slice %arg4[%mul3A_28] : memref<819200xi32, #tpu.memory_space<hbm>> -> memref<4096xi32, #tpu.memory_space<hbm>>
        %dma_start3A_32 = tpu.memref_slice %arg4[%mul3A_28] : memref<819200xi32, #tpu.memory_space<hbm>> -> memref<4096xi32, #tpu.memory_space<hbm>>
        tpu.enqueue_dma source(%dma_start3A_32 : memref<4096xi32, #tpu.memory_space<hbm>>) target(%arg10 : memref<4096xi32, #tpu.memory_space<vmem>>) target_semaphore(%run_scoped3A : memref<!tpu.dma_semaphore, #tpu.memory_space<semaphore_mem>>)
        %dma_wait3A = tpu.memref_slice %arg4[%mul3A_28] : memref<819200xi32, #tpu.memory_space<hbm>> -> memref<4096xi32, #tpu.memory_space<hbm>>
        %dma_wait3A_33 = tpu.memref_slice %arg4[%mul3A_28] : memref<819200xi32, #tpu.memory_space<hbm>> -> memref<4096xi32, #tpu.memory_space<hbm>>
        tpu.wait_dma2 semaphore(%run_scoped3A : memref<!tpu.dma_semaphore, #tpu.memory_space<semaphore_mem>>) src(%dma_wait3A_33 : memref<4096xi32, #tpu.memory_space<hbm>>) dst(%arg10 : memref<4096xi32, #tpu.memory_space<vmem>>)
        tpu.yield
      }) : () -> ()
      "tpu.region"() ({
        %run_scoped3A = tpu.sem_alloc : memref<!tpu.dma_semaphore, #tpu.memory_space<semaphore_mem>>
        %dma_start3A = tpu.memref_slice %arg5[%mul3A_28] : memref<819200xi32, #tpu.memory_space<hbm>> -> memref<4096xi32, #tpu.memory_space<hbm>>
        %dma_start3A_32 = tpu.memref_slice %arg5[%mul3A_28] : memref<819200xi32, #tpu.memory_space<hbm>> -> memref<4096xi32, #tpu.memory_space<hbm>>
        tpu.enqueue_dma source(%dma_start3A_32 : memref<4096xi32, #tpu.memory_space<hbm>>) target(%arg11 : memref<4096xi32, #tpu.memory_space<vmem>>) target_semaphore(%run_scoped3A : memref<!tpu.dma_semaphore, #tpu.memory_space<semaphore_mem>>)
        %dma_wait3A = tpu.memref_slice %arg5[%mul3A_28] : memref<819200xi32, #tpu.memory_space<hbm>> -> memref<4096xi32, #tpu.memory_space<hbm>>
        %dma_wait3A_33 = tpu.memref_slice %arg5[%mul3A_28] : memref<819200xi32, #tpu.memory_space<hbm>> -> memref<4096xi32, #tpu.memory_space<hbm>>
        tpu.wait_dma2 semaphore(%run_scoped3A : memref<!tpu.dma_semaphore, #tpu.memory_space<semaphore_mem>>) src(%dma_wait3A_33 : memref<4096xi32, #tpu.memory_space<hbm>>) dst(%arg11 : memref<4096xi32, #tpu.memory_space<vmem>>)
        tpu.yield
      }) : () -> ()
      %parallel_loop3A = arith.constant 0 : i32
      %parallel_loop3A_29 = arith.constant 256 : i32
      %parallel_loop3A_30 = arith.constant 1 : i32
      scf.for %parallel_loop3A_32 = %parallel_loop3A to %parallel_loop3A_29 step %parallel_loop3A_30  : i32 {
        %parallel_loop3A_33 = arith.constant 16 : i32
        %parallel_loop3A_34 = arith.muli %parallel_loop3A_32, %parallel_loop3A_33 : i32
        %parallel_loop3A_35 = arith.index_cast %parallel_loop3A_34 : i32 to index
        %parallel_loop3A_36 = tpu.vector_load %arg10[%parallel_loop3A_35] {strides = array<i32>} : memref<4096xi32, #tpu.memory_space<vmem>>, vector<16xi32>,
        %parallel_loop3A_37 = arith.index_cast %parallel_loop3A_34 : i32 to index
        %parallel_loop3A_38 = tpu.vector_load %arg11[%parallel_loop3A_37] {strides = array<i32>} : memref<4096xi32, #tpu.memory_space<vmem>>, vector<16xi32>,
        %parallel_loop3A_39 = tpu.vector_load_idx %arg8[%parallel_loop3A_36] : memref<50000xf32, #tpu.memory_space<vmem>>[vector<16xi32>], vector<16xf32>,
        %parallel_loop3A_40 = tpu.vector_load_idx %arg8[%parallel_loop3A_38] : memref<50000xf32, #tpu.memory_space<vmem>>[vector<16xi32>], vector<16xf32>,
        %parallel_loop3A_41 = arith.subf %parallel_loop3A_39, %parallel_loop3A_40 : vector<16xf32>
        %parallel_loop3A_42 = arith.index_cast %parallel_loop3A_34 : i32 to index
        %parallel_loop3A_43 = tpu.vector_load %arg12[%parallel_loop3A_42] {strides = array<i32>} : memref<4096xf32, #tpu.memory_space<vmem>>, vector<16xf32>,
        tpu.vector_store %arg12[%parallel_loop3A_42], %parallel_loop3A_41 {strides = array<i32>} : memref<4096xf32, #tpu.memory_space<vmem>>, vector<16xf32>,
        %parallel_loop3A_44 = tpu.vector_load_idx %arg9[%parallel_loop3A_36] : memref<50000xf32, #tpu.memory_space<vmem>>[vector<16xi32>], vector<16xf32>,
        %parallel_loop3A_45 = tpu.vector_load_idx %arg9[%parallel_loop3A_38] : memref<50000xf32, #tpu.memory_space<vmem>>[vector<16xi32>], vector<16xf32>,
        %parallel_loop3A_46 = arith.subf %parallel_loop3A_44, %parallel_loop3A_45 : vector<16xf32>
        %parallel_loop3A_47 = arith.index_cast %parallel_loop3A_34 : i32 to index
        %parallel_loop3A_48 = tpu.vector_load %arg13[%parallel_loop3A_47] {strides = array<i32>} : memref<4096xf32, #tpu.memory_space<vmem>>, vector<16xf32>,
        tpu.vector_store %arg13[%parallel_loop3A_47], %parallel_loop3A_46 {strides = array<i32>} : memref<4096xf32, #tpu.memory_space<vmem>>, vector<16xf32>,
      } {sc.loop_unroll_factor = 8 : i64, sc.parallel_access}
      "tpu.region"() ({
        %run_scoped3A = tpu.sem_alloc : memref<!tpu.dma_semaphore, #tpu.memory_space<semaphore_mem>>
        %dma_start3A = tpu.memref_slice %arg6[%mul3A_28] : memref<819200xf32, #tpu.memory_space<hbm>> -> memref<4096xf32, #tpu.memory_space<hbm>>
        %dma_start3A_32 = tpu.memref_slice %arg6[%mul3A_28] : memref<819200xf32, #tpu.memory_space<hbm>> -> memref<4096xf32, #tpu.memory_space<hbm>>
        tpu.enqueue_dma source(%arg12 : memref<4096xf32, #tpu.memory_space<vmem>>) target(%dma_start3A_32 : memref<4096xf32, #tpu.memory_space<hbm>>) target_semaphore(%run_scoped3A : memref<!tpu.dma_semaphore, #tpu.memory_space<semaphore_mem>>)
        %dma_wait3A = tpu.memref_slice %arg6[%mul3A_28] : memref<819200xf32, #tpu.memory_space<hbm>> -> memref<4096xf32, #tpu.memory_space<hbm>>
        %dma_wait3A_33 = tpu.memref_slice %arg6[%mul3A_28] : memref<819200xf32, #tpu.memory_space<hbm>> -> memref<4096xf32, #tpu.memory_space<hbm>>
        tpu.wait_dma2 semaphore(%run_scoped3A : memref<!tpu.dma_semaphore, #tpu.memory_space<semaphore_mem>>) src(%arg12 : memref<4096xf32, #tpu.memory_space<vmem>>) dst(%dma_wait3A_33 : memref<4096xf32, #tpu.memory_space<hbm>>)
        tpu.yield
      }) : () -> ()
      "tpu.region"() ({
        %run_scoped3A = tpu.sem_alloc : memref<!tpu.dma_semaphore, #tpu.memory_space<semaphore_mem>>
        %dma_start3A = tpu.memref_slice %arg7[%mul3A_28] : memref<819200xf32, #tpu.memory_space<hbm>> -> memref<4096xf32, #tpu.memory_space<hbm>>
        %dma_start3A_32 = tpu.memref_slice %arg7[%mul3A_28] : memref<819200xf32, #tpu.memory_space<hbm>> -> memref<4096xf32, #tpu.memory_space<hbm>>
        tpu.enqueue_dma source(%arg13 : memref<4096xf32, #tpu.memory_space<vmem>>) target(%dma_start3A_32 : memref<4096xf32, #tpu.memory_space<hbm>>) target_semaphore(%run_scoped3A : memref<!tpu.dma_semaphore, #tpu.memory_space<semaphore_mem>>)
        %dma_wait3A = tpu.memref_slice %arg7[%mul3A_28] : memref<819200xf32, #tpu.memory_space<hbm>> -> memref<4096xf32, #tpu.memory_space<hbm>>
        %dma_wait3A_33 = tpu.memref_slice %arg7[%mul3A_28] : memref<819200xf32, #tpu.memory_space<hbm>> -> memref<4096xf32, #tpu.memory_space<hbm>>
        tpu.wait_dma2 semaphore(%run_scoped3A : memref<!tpu.dma_semaphore, #tpu.memory_space<semaphore_mem>>) src(%arg13 : memref<4096xf32, #tpu.memory_space<vmem>>) dst(%dma_wait3A_33 : memref<4096xf32, #tpu.memory_space<hbm>>)
        tpu.yield
      }) : () -> ()
      %while3A_31 = arith.constant 0 : i32
      scf.yield %while3A_31 : i32
    }
    return
  }
}

module attributes {stable_mosaic.version = 14 : i64} {
  func.func @_node_mlp_body(%arg0: i32, %arg1: memref<4096x16xf32, #tpu.memory_space<vmem>>, %arg2: memref<16x128xf32, #tpu.memory_space<vmem>>, %arg3: memref<1x128xf32, #tpu.memory_space<vmem>>, %arg4: memref<128x128xbf16, #tpu.memory_space<vmem>>, %arg5: memref<1x128xf32, #tpu.memory_space<vmem>>, %arg6: memref<128x128xbf16, #tpu.memory_space<vmem>>, %arg7: memref<1x128xf32, #tpu.memory_space<vmem>>, %arg8: memref<1x128xf32, #tpu.memory_space<vmem>>, %arg9: memref<1x128xf32, #tpu.memory_space<vmem>>, %arg10: memref<128x128xbf16, #tpu.memory_space<vmem>>, %arg11: memref<4096x128xf32, #tpu.memory_space<vmem>>) attributes {dimension_semantics = [#tpu.dimension_semantics<arbitrary>], iteration_bounds = array<i64: 13>, scalar_prefetch = 0 : i64, scratch_operands = 0 : i64, tpu.core_type = #tpu.core_type<tc>, window_params = [{transform_indices = @transform_0, window_bounds = array<i64: 4096, 16>}, {pipeline_mode = #tpu.pipeline_mode<synchronous>, transform_indices = @transform_1, window_bounds = array<i64: 16, 128>}, {pipeline_mode = #tpu.pipeline_mode<synchronous>, transform_indices = @transform_2, window_bounds = array<i64: 1, 128>}, {pipeline_mode = #tpu.pipeline_mode<synchronous>, transform_indices = @transform_3, window_bounds = array<i64: 128, 128>}, {pipeline_mode = #tpu.pipeline_mode<synchronous>, transform_indices = @transform_4, window_bounds = array<i64: 1, 128>}, {pipeline_mode = #tpu.pipeline_mode<synchronous>, transform_indices = @transform_5, window_bounds = array<i64: 128, 128>}, {pipeline_mode = #tpu.pipeline_mode<synchronous>, transform_indices = @transform_6, window_bounds = array<i64: 1, 128>}, {pipeline_mode = #tpu.pipeline_mode<synchronous>, transform_indices = @transform_7, window_bounds = array<i64: 1, 128>}, {pipeline_mode = #tpu.pipeline_mode<synchronous>, transform_indices = @transform_8, window_bounds = array<i64: 1, 128>}, {pipeline_mode = #tpu.pipeline_mode<synchronous>, transform_indices = @transform_9, window_bounds = array<i64: 128, 128>}, {transform_indices = @transform_10, window_bounds = array<i64: 4096, 128>}]} {
    %get3A = arith.constant 0 : index
    %get3A_0 = arith.constant 0 : index
    %get3A_1 = vector.load %arg1[%get3A, %get3A_0] : memref<4096x16xf32, #tpu.memory_space<vmem>>, vector<4096x16xf32>
    %get3A_2 = arith.constant 0 : index
    %get3A_3 = arith.constant 0 : index
    %get3A_4 = vector.load %arg2[%get3A_2, %get3A_3] : memref<16x128xf32, #tpu.memory_space<vmem>>, vector<16x128xf32>
    %dot_general3A = arith.constant dense<0.000000e+00> : vector<4096x128xf32>
    %dot_general3A_5 = tpu.matmul %get3A_1, %get3A_4, %dot_general3A {dimension_numbers = #tpu.dot_dimension_numbers<[1], [0], [0], [1], [0, 0, 1, 1], [], []>, transpose_lhs_hint = false} : vector<4096x16xf32>, vector<16x128xf32>, vector<4096x128xf32> -> vector<4096x128xf32>
    %get3A_6 = arith.constant 0 : index
    %get3A_7 = arith.constant 0 : index
    %get3A_8 = vector.load %arg3[%get3A_6, %get3A_7] : memref<1x128xf32, #tpu.memory_space<vmem>>, vector<1x128xf32>
    %add3A = vector.broadcast %get3A_8 : vector<1x128xf32> to vector<4096x128xf32>
    %add3A_9 = arith.addf %dot_general3A_5, %add3A : vector<4096x128xf32>
    %max3A = arith.constant 0.000000e+00 : f32
    %max3A_10 = vector.broadcast %max3A : f32 to vector<4096x128xf32>
    %max3A_11 = arith.maximumf %add3A_9, %max3A_10 : vector<4096x128xf32>
    %convert_element_type3A = arith.truncf %max3A_11 : vector<4096x128xf32> to vector<4096x128xbf16>
    %get3A_12 = arith.constant 0 : index
    %get3A_13 = arith.constant 0 : index
    %get3A_14 = vector.load %arg4[%get3A_12, %get3A_13] : memref<128x128xbf16, #tpu.memory_space<vmem>>, vector<128x128xbf16>
    %dot_general3A_15 = arith.constant dense<0.000000e+00> : vector<4096x128xf32>
    %dot_general3A_16 = tpu.matmul %convert_element_type3A, %get3A_14, %dot_general3A_15 {dimension_numbers = #tpu.dot_dimension_numbers<[1], [0], [0], [1], [0, 0, 1, 1], [], []>, transpose_lhs_hint = false} : vector<4096x128xbf16>, vector<128x128xbf16>, vector<4096x128xf32> -> vector<4096x128xf32>
    %get3A_17 = arith.constant 0 : index
    %get3A_18 = arith.constant 0 : index
    %get3A_19 = vector.load %arg5[%get3A_17, %get3A_18] : memref<1x128xf32, #tpu.memory_space<vmem>>, vector<1x128xf32>
    %max3A_20 = vector.broadcast %get3A_19 : vector<1x128xf32> to vector<4096x128xf32>
    %max3A_21 = arith.maximumf %dot_general3A_16, %max3A_20 : vector<4096x128xf32>
    %convert_element_type3A_22 = arith.truncf %max3A_21 : vector<4096x128xf32> to vector<4096x128xbf16>
    %get3A_23 = arith.constant 0 : index
    %get3A_24 = arith.constant 0 : index
    %get3A_25 = vector.load %arg6[%get3A_23, %get3A_24] : memref<128x128xbf16, #tpu.memory_space<vmem>>, vector<128x128xbf16>
    %dot_general3A_26 = arith.constant dense<0.000000e+00> : vector<4096x128xf32>
    %dot_general3A_27 = tpu.matmul %convert_element_type3A_22, %get3A_25, %dot_general3A_26 {dimension_numbers = #tpu.dot_dimension_numbers<[1], [0], [0], [1], [0, 0, 1, 1], [], []>, transpose_lhs_hint = false} : vector<4096x128xbf16>, vector<128x128xbf16>, vector<4096x128xf32> -> vector<4096x128xf32>
    %get3A_28 = arith.constant 0 : index
    %get3A_29 = arith.constant 0 : index
    %get3A_30 = vector.load %arg7[%get3A_28, %get3A_29] : memref<1x128xf32, #tpu.memory_space<vmem>>, vector<1x128xf32>
    %add3A_31 = vector.broadcast %get3A_30 : vector<1x128xf32> to vector<4096x128xf32>
    %add3A_32 = arith.addf %dot_general3A_27, %add3A_31 : vector<4096x128xf32>
    %convert_element_type3A_33 = arith.truncf %add3A_32 : vector<4096x128xf32> to vector<4096x128xbf16>
    %mul3A = arith.mulf %convert_element_type3A_33, %convert_element_type3A_33 : vector<4096x128xbf16>
    %get3A_34 = arith.constant 0 : index
    %get3A_35 = arith.constant 0 : index
    %get3A_36 = vector.load %arg10[%get3A_34, %get3A_35] : memref<128x128xbf16, #tpu.memory_space<vmem>>, vector<128x128xbf16>
    %dot_general3A_37 = arith.constant dense<0.000000e+00> : vector<4096x128xf32>
    %dot_general3A_38 = tpu.matmul %mul3A, %get3A_36, %dot_general3A_37 {dimension_numbers = #tpu.dot_dimension_numbers<[1], [0], [0], [1], [0, 0, 1, 1], [], []>, transpose_lhs_hint = false} : vector<4096x128xbf16>, vector<128x128xbf16>, vector<4096x128xf32> -> vector<4096x128xf32>
    %get3A_39 = arith.constant 0 : index
    %get3A_40 = arith.constant 0 : index
    %get3A_41 = vector.load %arg8[%get3A_39, %get3A_40] : memref<1x128xf32, #tpu.memory_space<vmem>>, vector<1x128xf32>
    %add3A_42 = arith.constant 9.99999974E-6 : f32
    %add3A_43 = vector.broadcast %add3A_42 : f32 to vector<4096x128xf32>
    %add3A_44 = arith.addf %dot_general3A_38, %add3A_43 : vector<4096x128xf32>
    %rsqrt3A = math.rsqrt %add3A_44 : vector<4096x128xf32>
    %mul3A_45 = arith.mulf %add3A_32, %rsqrt3A : vector<4096x128xf32>
    %mul3A_46 = vector.broadcast %get3A_41 : vector<1x128xf32> to vector<4096x128xf32>
    %mul3A_47 = arith.mulf %mul3A_46, %mul3A_45 : vector<4096x128xf32>
    %get3A_48 = arith.constant 0 : index
    %get3A_49 = arith.constant 0 : index
    %get3A_50 = vector.load %arg9[%get3A_48, %get3A_49] : memref<1x128xf32, #tpu.memory_space<vmem>>, vector<1x128xf32>
    %add3A_51 = vector.broadcast %get3A_50 : vector<1x128xf32> to vector<4096x128xf32>
    %add3A_52 = arith.addf %mul3A_47, %add3A_51 : vector<4096x128xf32>
    %swap3A = arith.constant 0 : index
    %swap3A_53 = arith.constant 0 : index
    %swap3A_54 = vector.load %arg11[%swap3A, %swap3A_53] : memref<4096x128xf32, #tpu.memory_space<vmem>>, vector<4096x128xf32>
    tpu.vector_store %arg11[%swap3A, %swap3A_53], %add3A_52 {strides = array<i32>} : memref<4096x128xf32, #tpu.memory_space<vmem>>, vector<4096x128xf32>,
    return
  }
  func.func @transform_0(%arg0: i32) -> (i32, i32) {
    %c0_i32 = arith.constant 0 : i32
    %c0_i32_0 = arith.constant 0 : i32
    return %arg0, %c0_i32 : i32, i32
  }
  func.func @transform_1(%arg0: i32) -> (i32, i32) {
    %c0_i32 = arith.constant 0 : i32
    %c0_i32_0 = arith.constant 0 : i32
    %c0_i32_1 = arith.constant 0 : i32
    return %c0_i32, %c0_i32_0 : i32, i32
  }
  func.func @transform_2(%arg0: i32) -> (i32, i32) {
    %c0_i32 = arith.constant 0 : i32
    %c0_i32_0 = arith.constant 0 : i32
    %c0_i32_1 = arith.constant 0 : i32
    return %c0_i32, %c0_i32_0 : i32, i32
  }
  func.func @transform_3(%arg0: i32) -> (i32, i32) {
    %c0_i32 = arith.constant 0 : i32
    %c0_i32_0 = arith.constant 0 : i32
    %c0_i32_1 = arith.constant 0 : i32
    return %c0_i32, %c0_i32_0 : i32, i32
  }
  func.func @transform_4(%arg0: i32) -> (i32, i32) {
    %c0_i32 = arith.constant 0 : i32
    %c0_i32_0 = arith.constant 0 : i32
    %c0_i32_1 = arith.constant 0 : i32
    return %c0_i32, %c0_i32_0 : i32, i32
  }
  func.func @transform_5(%arg0: i32) -> (i32, i32) {
    %c0_i32 = arith.constant 0 : i32
    %c0_i32_0 = arith.constant 0 : i32
    %c0_i32_1 = arith.constant 0 : i32
    return %c0_i32, %c0_i32_0 : i32, i32
  }
  func.func @transform_6(%arg0: i32) -> (i32, i32) {
    %c0_i32 = arith.constant 0 : i32
    %c0_i32_0 = arith.constant 0 : i32
    %c0_i32_1 = arith.constant 0 : i32
    return %c0_i32, %c0_i32_0 : i32, i32
  }
  func.func @transform_7(%arg0: i32) -> (i32, i32) {
    %c0_i32 = arith.constant 0 : i32
    %c0_i32_0 = arith.constant 0 : i32
    %c0_i32_1 = arith.constant 0 : i32
    return %c0_i32, %c0_i32_0 : i32, i32
  }
  func.func @transform_8(%arg0: i32) -> (i32, i32) {
    %c0_i32 = arith.constant 0 : i32
    %c0_i32_0 = arith.constant 0 : i32
    %c0_i32_1 = arith.constant 0 : i32
    return %c0_i32, %c0_i32_0 : i32, i32
  }
  func.func @transform_9(%arg0: i32) -> (i32, i32) {
    %c0_i32 = arith.constant 0 : i32
    %c0_i32_0 = arith.constant 0 : i32
    %c0_i32_1 = arith.constant 0 : i32
    return %c0_i32, %c0_i32_0 : i32, i32
  }
  func.func @transform_10(%arg0: i32) -> (i32, i32) {
    %c0_i32 = arith.constant 0 : i32
    %c0_i32_0 = arith.constant 0 : i32
    return %arg0, %c0_i32 : i32, i32
  }
}

module attributes {stable_mosaic.version = 14 : i64} {
  func.func @_edge_mlp_body(%arg0: i32, %arg1: memref<128x128xf32, #tpu.memory_space<vmem>>, %arg2: memref<128x128xf32, #tpu.memory_space<vmem>>, %arg3: memref<128x4096xbf16, #tpu.memory_space<vmem>>, %arg4: memref<128x128xbf16, #tpu.memory_space<vmem>>, %arg5: memref<1x128xf32, #tpu.memory_space<vmem>>, %arg6: memref<128x128xbf16, #tpu.memory_space<vmem>>, %arg7: memref<1x128xf32, #tpu.memory_space<vmem>>, %arg8: memref<1x128xf32, #tpu.memory_space<vmem>>, %arg9: memref<1x128xf32, #tpu.memory_space<vmem>>, %arg10: memref<128x128xbf16, #tpu.memory_space<vmem>>, %arg11: memref<16384x128xf32, #tpu.memory_space<vmem>>) attributes {dimension_semantics = [#tpu.dimension_semantics<arbitrary>], iteration_bounds = array<i64: 49>, scalar_prefetch = 0 : i64, scratch_operands = 0 : i64, tpu.core_type = #tpu.core_type<tc>, window_params = [{transform_indices = @transform_0, window_bounds = array<i64: 128, 128>}, {transform_indices = @transform_1, window_bounds = array<i64: 128, 128>}, {pipeline_mode = #tpu.pipeline_mode<synchronous>, transform_indices = @transform_2, window_bounds = array<i64: 128, 4096>}, {pipeline_mode = #tpu.pipeline_mode<synchronous>, transform_indices = @transform_3, window_bounds = array<i64: 128, 128>}, {pipeline_mode = #tpu.pipeline_mode<synchronous>, transform_indices = @transform_4, window_bounds = array<i64: 1, 128>}, {pipeline_mode = #tpu.pipeline_mode<synchronous>, transform_indices = @transform_5, window_bounds = array<i64: 128, 128>}, {pipeline_mode = #tpu.pipeline_mode<synchronous>, transform_indices = @transform_6, window_bounds = array<i64: 1, 128>}, {pipeline_mode = #tpu.pipeline_mode<synchronous>, transform_indices = @transform_7, window_bounds = array<i64: 1, 128>}, {pipeline_mode = #tpu.pipeline_mode<synchronous>, transform_indices = @transform_8, window_bounds = array<i64: 1, 128>}, {pipeline_mode = #tpu.pipeline_mode<synchronous>, transform_indices = @transform_9, window_bounds = array<i64: 128, 128>}, {transform_indices = @transform_10, window_bounds = array<i64: 16384, 128>}]} {
    %get3A = arith.constant 0 : index
    %get3A_0 = arith.constant 0 : index
    %get3A_1 = vector.load %arg1[%get3A, %get3A_0] : memref<128x128xf32, #tpu.memory_space<vmem>>, vector<32x128xf32>
    %transpose3A = tpu.transpose %get3A_1, [1, 0] : vector<32x128xf32> -> vector<128x32xf32>
    %get3A_2 = arith.constant 0 : index
    %get3A_3 = arith.constant 0 : index
    %get3A_4 = vector.load %arg2[%get3A_2, %get3A_3] : memref<128x128xf32, #tpu.memory_space<vmem>>, vector<32x128xf32>
    %transpose3A_5 = tpu.transpose %get3A_4, [1, 0] : vector<32x128xf32> -> vector<128x32xf32>
    %mul3A = arith.mulf %transpose3A, %transpose3A : vector<128x32xf32>
    %mul3A_6 = arith.mulf %transpose3A_5, %transpose3A_5 : vector<128x32xf32>
    %add3A = arith.addf %mul3A, %mul3A_6 : vector<128x32xf32>
    %sqrt3A = math.sqrt %add3A : vector<128x32xf32>
    %broadcast_in_dim3A = arith.constant 1.000000e+00 : f32
    %broadcast_in_dim3A_7 = vector.broadcast %broadcast_in_dim3A : f32 to vector<128x32xf32>
    %concatenate3A = tpu.concatenate %transpose3A, %transpose3A_5, %sqrt3A, %broadcast_in_dim3A_7 in 1 : vector<128x32xf32>, vector<128x32xf32>, vector<128x32xf32>, vector<128x32xf32> -> vector<128x128xf32>
    %convert_element_type3A = arith.truncf %concatenate3A : vector<128x128xf32> to vector<128x128xbf16>
    %get3A_8 = arith.constant 0 : index
    %get3A_9 = arith.constant 0 : index
    %get3A_10 = vector.load %arg3[%get3A_8, %get3A_9] : memref<128x4096xbf16, #tpu.memory_space<vmem>>, vector<128x4096xbf16>
    %dot_general3A = arith.constant dense<0.000000e+00> : vector<128x4096xf32>
    %dot_general3A_11 = tpu.matmul %convert_element_type3A, %get3A_10, %dot_general3A {dimension_numbers = #tpu.dot_dimension_numbers<[1], [0], [0], [1], [0, 0, 1, 1], [], []>, transpose_lhs_hint = false} : vector<128x128xbf16>, vector<128x4096xbf16>, vector<128x4096xf32> -> vector<128x4096xf32>
    %max3A = arith.constant 0.000000e+00 : f32
    %max3A_12 = vector.broadcast %max3A : f32 to vector<128x4096xf32>
    %max3A_13 = arith.maximumf %dot_general3A_11, %max3A_12 : vector<128x4096xf32>
    %convert_element_type3A_14 = arith.truncf %max3A_13 : vector<128x4096xf32> to vector<128x4096xbf16>
    %slice3A = vector.extract_strided_slice %convert_element_type3A_14 {offsets = [0, 0], sizes = [128, 128], strides = [1, 1]} : vector<128x4096xbf16> to vector<128x128xbf16>
    %slice3A_15 = vector.extract_strided_slice %convert_element_type3A_14 {offsets = [0, 128], sizes = [128, 128], strides = [1, 1]} : vector<128x4096xbf16> to vector<128x128xbf16>
    %slice3A_16 = vector.extract_strided_slice %convert_element_type3A_14 {offsets = [0, 256], sizes = [128, 128], strides = [1, 1]} : vector<128x4096xbf16> to vector<128x128xbf16>
    %slice3A_17 = vector.extract_strided_slice %convert_element_type3A_14 {offsets = [0, 384], sizes = [128, 128], strides = [1, 1]} : vector<128x4096xbf16> to vector<128x128xbf16>
    %slice3A_18 = vector.extract_strided_slice %convert_element_type3A_14 {offsets = [0, 512], sizes = [128, 128], strides = [1, 1]} : vector<128x4096xbf16> to vector<128x128xbf16>
    %slice3A_19 = vector.extract_strided_slice %convert_element_type3A_14 {offsets = [0, 640], sizes = [128, 128], strides = [1, 1]} : vector<128x4096xbf16> to vector<128x128xbf16>
    %slice3A_20 = vector.extract_strided_slice %convert_element_type3A_14 {offsets = [0, 768], sizes = [128, 128], strides = [1, 1]} : vector<128x4096xbf16> to vector<128x128xbf16>
    %slice3A_21 = vector.extract_strided_slice %convert_element_type3A_14 {offsets = [0, 896], sizes = [128, 128], strides = [1, 1]} : vector<128x4096xbf16> to vector<128x128xbf16>
    %slice3A_22 = vector.extract_strided_slice %convert_element_type3A_14 {offsets = [0, 1024], sizes = [128, 128], strides = [1, 1]} : vector<128x4096xbf16> to vector<128x128xbf16>
    %slice3A_23 = vector.extract_strided_slice %convert_element_type3A_14 {offsets = [0, 1152], sizes = [128, 128], strides = [1, 1]} : vector<128x4096xbf16> to vector<128x128xbf16>
    %slice3A_24 = vector.extract_strided_slice %convert_element_type3A_14 {offsets = [0, 1280], sizes = [128, 128], strides = [1, 1]} : vector<128x4096xbf16> to vector<128x128xbf16>
    %slice3A_25 = vector.extract_strided_slice %convert_element_type3A_14 {offsets = [0, 1408], sizes = [128, 128], strides = [1, 1]} : vector<128x4096xbf16> to vector<128x128xbf16>
    %slice3A_26 = vector.extract_strided_slice %convert_element_type3A_14 {offsets = [0, 1536], sizes = [128, 128], strides = [1, 1]} : vector<128x4096xbf16> to vector<128x128xbf16>
    %slice3A_27 = vector.extract_strided_slice %convert_element_type3A_14 {offsets = [0, 1664], sizes = [128, 128], strides = [1, 1]} : vector<128x4096xbf16> to vector<128x128xbf16>
    %slice3A_28 = vector.extract_strided_slice %convert_element_type3A_14 {offsets = [0, 1792], sizes = [128, 128], strides = [1, 1]} : vector<128x4096xbf16> to vector<128x128xbf16>
    %slice3A_29 = vector.extract_strided_slice %convert_element_type3A_14 {offsets = [0, 1920], sizes = [128, 128], strides = [1, 1]} : vector<128x4096xbf16> to vector<128x128xbf16>
    %slice3A_30 = vector.extract_strided_slice %convert_element_type3A_14 {offsets = [0, 2048], sizes = [128, 128], strides = [1, 1]} : vector<128x4096xbf16> to vector<128x128xbf16>
    %slice3A_31 = vector.extract_strided_slice %convert_element_type3A_14 {offsets = [0, 2176], sizes = [128, 128], strides = [1, 1]} : vector<128x4096xbf16> to vector<128x128xbf16>
    %slice3A_32 = vector.extract_strided_slice %convert_element_type3A_14 {offsets = [0, 2304], sizes = [128, 128], strides = [1, 1]} : vector<128x4096xbf16> to vector<128x128xbf16>
    %slice3A_33 = vector.extract_strided_slice %convert_element_type3A_14 {offsets = [0, 2432], sizes = [128, 128], strides = [1, 1]} : vector<128x4096xbf16> to vector<128x128xbf16>
    %slice3A_34 = vector.extract_strided_slice %convert_element_type3A_14 {offsets = [0, 2560], sizes = [128, 128], strides = [1, 1]} : vector<128x4096xbf16> to vector<128x128xbf16>
    %slice3A_35 = vector.extract_strided_slice %convert_element_type3A_14 {offsets = [0, 2688], sizes = [128, 128], strides = [1, 1]} : vector<128x4096xbf16> to vector<128x128xbf16>
    %slice3A_36 = vector.extract_strided_slice %convert_element_type3A_14 {offsets = [0, 2816], sizes = [128, 128], strides = [1, 1]} : vector<128x4096xbf16> to vector<128x128xbf16>
    %slice3A_37 = vector.extract_strided_slice %convert_element_type3A_14 {offsets = [0, 2944], sizes = [128, 128], strides = [1, 1]} : vector<128x4096xbf16> to vector<128x128xbf16>
    %slice3A_38 = vector.extract_strided_slice %convert_element_type3A_14 {offsets = [0, 3072], sizes = [128, 128], strides = [1, 1]} : vector<128x4096xbf16> to vector<128x128xbf16>
    %slice3A_39 = vector.extract_strided_slice %convert_element_type3A_14 {offsets = [0, 3200], sizes = [128, 128], strides = [1, 1]} : vector<128x4096xbf16> to vector<128x128xbf16>
    %slice3A_40 = vector.extract_strided_slice %convert_element_type3A_14 {offsets = [0, 3328], sizes = [128, 128], strides = [1, 1]} : vector<128x4096xbf16> to vector<128x128xbf16>
    %slice3A_41 = vector.extract_strided_slice %convert_element_type3A_14 {offsets = [0, 3456], sizes = [128, 128], strides = [1, 1]} : vector<128x4096xbf16> to vector<128x128xbf16>
    %slice3A_42 = vector.extract_strided_slice %convert_element_type3A_14 {offsets = [0, 3584], sizes = [128, 128], strides = [1, 1]} : vector<128x4096xbf16> to vector<128x128xbf16>
    %slice3A_43 = vector.extract_strided_slice %convert_element_type3A_14 {offsets = [0, 3712], sizes = [128, 128], strides = [1, 1]} : vector<128x4096xbf16> to vector<128x128xbf16>
    %slice3A_44 = vector.extract_strided_slice %convert_element_type3A_14 {offsets = [0, 3840], sizes = [128, 128], strides = [1, 1]} : vector<128x4096xbf16> to vector<128x128xbf16>
    %slice3A_45 = vector.extract_strided_slice %convert_element_type3A_14 {offsets = [0, 3968], sizes = [128, 128], strides = [1, 1]} : vector<128x4096xbf16> to vector<128x128xbf16>
    %get3A_46 = arith.constant 32 : index
    %get3A_47 = arith.constant 0 : index
    %get3A_48 = vector.load %arg1[%get3A_46, %get3A_47] : memref<128x128xf32, #tpu.memory_space<vmem>>, vector<32x128xf32>
    %transpose3A_49 = tpu.transpose %get3A_48, [1, 0] : vector<32x128xf32> -> vector<128x32xf32>
    %get3A_50 = arith.constant 32 : index
    %get3A_51 = arith.constant 0 : index
    %get3A_52 = vector.load %arg2[%get3A_50, %get3A_51] : memref<128x128xf32, #tpu.memory_space<vmem>>, vector<32x128xf32>
    %transpose3A_53 = tpu.transpose %get3A_52, [1, 0] : vector<32x128xf32> -> vector<128x32xf32>
    %mul3A_54 = arith.mulf %transpose3A_49, %transpose3A_49 : vector<128x32xf32>
    %mul3A_55 = arith.mulf %transpose3A_53, %transpose3A_53 : vector<128x32xf32>
    %add3A_56 = arith.addf %mul3A_54, %mul3A_55 : vector<128x32xf32>
    %sqrt3A_57 = math.sqrt %add3A_56 : vector<128x32xf32>
    %broadcast_in_dim3A_58 = arith.constant 1.000000e+00 : f32
    %broadcast_in_dim3A_59 = vector.broadcast %broadcast_in_dim3A_58 : f32 to vector<128x32xf32>
    %concatenate3A_60 = tpu.concatenate %transpose3A_49, %transpose3A_53, %sqrt3A_57, %broadcast_in_dim3A_59 in 1 : vector<128x32xf32>, vector<128x32xf32>, vector<128x32xf32>, vector<128x32xf32> -> vector<128x128xf32>
    %convert_element_type3A_61 = arith.truncf %concatenate3A_60 : vector<128x128xf32> to vector<128x128xbf16>
    %get3A_62 = arith.constant 0 : index
    %get3A_63 = arith.constant 0 : index
    %get3A_64 = vector.load %arg3[%get3A_62, %get3A_63] : memref<128x4096xbf16, #tpu.memory_space<vmem>>, vector<128x4096xbf16>
    %dot_general3A_65 = arith.constant dense<0.000000e+00> : vector<128x4096xf32>
    %dot_general3A_66 = tpu.matmul %convert_element_type3A_61, %get3A_64, %dot_general3A_65 {dimension_numbers = #tpu.dot_dimension_numbers<[1], [0], [0], [1], [0, 0, 1, 1], [], []>, transpose_lhs_hint = false} : vector<128x128xbf16>, vector<128x4096xbf16>, vector<128x4096xf32> -> vector<128x4096xf32>
    %max3A_67 = arith.constant 0.000000e+00 : f32
    %max3A_68 = vector.broadcast %max3A_67 : f32 to vector<128x4096xf32>
    %max3A_69 = arith.maximumf %dot_general3A_66, %max3A_68 : vector<128x4096xf32>
    %convert_element_type3A_70 = arith.truncf %max3A_69 : vector<128x4096xf32> to vector<128x4096xbf16>
    %slice3A_71 = vector.extract_strided_slice %convert_element_type3A_70 {offsets = [0, 0], sizes = [128, 128], strides = [1, 1]} : vector<128x4096xbf16> to vector<128x128xbf16>
    %slice3A_72 = vector.extract_strided_slice %convert_element_type3A_70 {offsets = [0, 128], sizes = [128, 128], strides = [1, 1]} : vector<128x4096xbf16> to vector<128x128xbf16>
    %slice3A_73 = vector.extract_strided_slice %convert_element_type3A_70 {offsets = [0, 256], sizes = [128, 128], strides = [1, 1]} : vector<128x4096xbf16> to vector<128x128xbf16>
    %slice3A_74 = vector.extract_strided_slice %convert_element_type3A_70 {offsets = [0, 384], sizes = [128, 128], strides = [1, 1]} : vector<128x4096xbf16> to vector<128x128xbf16>
    %slice3A_75 = vector.extract_strided_slice %convert_element_type3A_70 {offsets = [0, 512], sizes = [128, 128], strides = [1, 1]} : vector<128x4096xbf16> to vector<128x128xbf16>
    %slice3A_76 = vector.extract_strided_slice %convert_element_type3A_70 {offsets = [0, 640], sizes = [128, 128], strides = [1, 1]} : vector<128x4096xbf16> to vector<128x128xbf16>
    %slice3A_77 = vector.extract_strided_slice %convert_element_type3A_70 {offsets = [0, 768], sizes = [128, 128], strides = [1, 1]} : vector<128x4096xbf16> to vector<128x128xbf16>
    %slice3A_78 = vector.extract_strided_slice %convert_element_type3A_70 {offsets = [0, 896], sizes = [128, 128], strides = [1, 1]} : vector<128x4096xbf16> to vector<128x128xbf16>
    %slice3A_79 = vector.extract_strided_slice %convert_element_type3A_70 {offsets = [0, 1024], sizes = [128, 128], strides = [1, 1]} : vector<128x4096xbf16> to vector<128x128xbf16>
    %slice3A_80 = vector.extract_strided_slice %convert_element_type3A_70 {offsets = [0, 1152], sizes = [128, 128], strides = [1, 1]} : vector<128x4096xbf16> to vector<128x128xbf16>
    %slice3A_81 = vector.extract_strided_slice %convert_element_type3A_70 {offsets = [0, 1280], sizes = [128, 128], strides = [1, 1]} : vector<128x4096xbf16> to vector<128x128xbf16>
    %slice3A_82 = vector.extract_strided_slice %convert_element_type3A_70 {offsets = [0, 1408], sizes = [128, 128], strides = [1, 1]} : vector<128x4096xbf16> to vector<128x128xbf16>
    %slice3A_83 = vector.extract_strided_slice %convert_element_type3A_70 {offsets = [0, 1536], sizes = [128, 128], strides = [1, 1]} : vector<128x4096xbf16> to vector<128x128xbf16>
    %slice3A_84 = vector.extract_strided_slice %convert_element_type3A_70 {offsets = [0, 1664], sizes = [128, 128], strides = [1, 1]} : vector<128x4096xbf16> to vector<128x128xbf16>
    %slice3A_85 = vector.extract_strided_slice %convert_element_type3A_70 {offsets = [0, 1792], sizes = [128, 128], strides = [1, 1]} : vector<128x4096xbf16> to vector<128x128xbf16>
    %slice3A_86 = vector.extract_strided_slice %convert_element_type3A_70 {offsets = [0, 1920], sizes = [128, 128], strides = [1, 1]} : vector<128x4096xbf16> to vector<128x128xbf16>
    %slice3A_87 = vector.extract_strided_slice %convert_element_type3A_70 {offsets = [0, 2048], sizes = [128, 128], strides = [1, 1]} : vector<128x4096xbf16> to vector<128x128xbf16>
    %slice3A_88 = vector.extract_strided_slice %convert_element_type3A_70 {offsets = [0, 2176], sizes = [128, 128], strides = [1, 1]} : vector<128x4096xbf16> to vector<128x128xbf16>
    %slice3A_89 = vector.extract_strided_slice %convert_element_type3A_70 {offsets = [0, 2304], sizes = [128, 128], strides = [1, 1]} : vector<128x4096xbf16> to vector<128x128xbf16>
    %slice3A_90 = vector.extract_strided_slice %convert_element_type3A_70 {offsets = [0, 2432], sizes = [128, 128], strides = [1, 1]} : vector<128x4096xbf16> to vector<128x128xbf16>
    %slice3A_91 = vector.extract_strided_slice %convert_element_type3A_70 {offsets = [0, 2560], sizes = [128, 128], strides = [1, 1]} : vector<128x4096xbf16> to vector<128x128xbf16>
    %slice3A_92 = vector.extract_strided_slice %convert_element_type3A_70 {offsets = [0, 2688], sizes = [128, 128], strides = [1, 1]} : vector<128x4096xbf16> to vector<128x128xbf16>
    %slice3A_93 = vector.extract_strided_slice %convert_element_type3A_70 {offsets = [0, 2816], sizes = [128, 128], strides = [1, 1]} : vector<128x4096xbf16> to vector<128x128xbf16>
    %slice3A_94 = vector.extract_strided_slice %convert_element_type3A_70 {offsets = [0, 2944], sizes = [128, 128], strides = [1, 1]} : vector<128x4096xbf16> to vector<128x128xbf16>
    %slice3A_95 = vector.extract_strided_slice %convert_element_type3A_70 {offsets = [0, 3072], sizes = [128, 128], strides = [1, 1]} : vector<128x4096xbf16> to vector<128x128xbf16>
    %slice3A_96 = vector.extract_strided_slice %convert_element_type3A_70 {offsets = [0, 3200], sizes = [128, 128], strides = [1, 1]} : vector<128x4096xbf16> to vector<128x128xbf16>
    %slice3A_97 = vector.extract_strided_slice %convert_element_type3A_70 {offsets = [0, 3328], sizes = [128, 128], strides = [1, 1]} : vector<128x4096xbf16> to vector<128x128xbf16>
    %slice3A_98 = vector.extract_strided_slice %convert_element_type3A_70 {offsets = [0, 3456], sizes = [128, 128], strides = [1, 1]} : vector<128x4096xbf16> to vector<128x128xbf16>
    %slice3A_99 = vector.extract_strided_slice %convert_element_type3A_70 {offsets = [0, 3584], sizes = [128, 128], strides = [1, 1]} : vector<128x4096xbf16> to vector<128x128xbf16>
    %slice3A_100 = vector.extract_strided_slice %convert_element_type3A_70 {offsets = [0, 3712], sizes = [128, 128], strides = [1, 1]} : vector<128x4096xbf16> to vector<128x128xbf16>
    %slice3A_101 = vector.extract_strided_slice %convert_element_type3A_70 {offsets = [0, 3840], sizes = [128, 128], strides = [1, 1]} : vector<128x4096xbf16> to vector<128x128xbf16>
    %slice3A_102 = vector.extract_strided_slice %convert_element_type3A_70 {offsets = [0, 3968], sizes = [128, 128], strides = [1, 1]} : vector<128x4096xbf16> to vector<128x128xbf16>
    %get3A_103 = arith.constant 64 : index
    %get3A_104 = arith.constant 0 : index
    %get3A_105 = vector.load %arg1[%get3A_103, %get3A_104] : memref<128x128xf32, #tpu.memory_space<vmem>>, vector<32x128xf32>
    %transpose3A_106 = tpu.transpose %get3A_105, [1, 0] : vector<32x128xf32> -> vector<128x32xf32>
    %get3A_107 = arith.constant 64 : index
    %get3A_108 = arith.constant 0 : index
    %get3A_109 = vector.load %arg2[%get3A_107, %get3A_108] : memref<128x128xf32, #tpu.memory_space<vmem>>, vector<32x128xf32>
    %transpose3A_110 = tpu.transpose %get3A_109, [1, 0] : vector<32x128xf32> -> vector<128x32xf32>
    %mul3A_111 = arith.mulf %transpose3A_106, %transpose3A_106 : vector<128x32xf32>
    %mul3A_112 = arith.mulf %transpose3A_110, %transpose3A_110 : vector<128x32xf32>
    %add3A_113 = arith.addf %mul3A_111, %mul3A_112 : vector<128x32xf32>
    %sqrt3A_114 = math.sqrt %add3A_113 : vector<128x32xf32>
    %broadcast_in_dim3A_115 = arith.constant 1.000000e+00 : f32
    %broadcast_in_dim3A_116 = vector.broadcast %broadcast_in_dim3A_115 : f32 to vector<128x32xf32>
    %concatenate3A_117 = tpu.concatenate %transpose3A_106, %transpose3A_110, %sqrt3A_114, %broadcast_in_dim3A_116 in 1 : vector<128x32xf32>, vector<128x32xf32>, vector<128x32xf32>, vector<128x32xf32> -> vector<128x128xf32>
    %convert_element_type3A_118 = arith.truncf %concatenate3A_117 : vector<128x128xf32> to vector<128x128xbf16>
    %get3A_119 = arith.constant 0 : index
    %get3A_120 = arith.constant 0 : index
    %get3A_121 = vector.load %arg3[%get3A_119, %get3A_120] : memref<128x4096xbf16, #tpu.memory_space<vmem>>, vector<128x4096xbf16>
    %dot_general3A_122 = arith.constant dense<0.000000e+00> : vector<128x4096xf32>
    %dot_general3A_123 = tpu.matmul %convert_element_type3A_118, %get3A_121, %dot_general3A_122 {dimension_numbers = #tpu.dot_dimension_numbers<[1], [0], [0], [1], [0, 0, 1, 1], [], []>, transpose_lhs_hint = false} : vector<128x128xbf16>, vector<128x4096xbf16>, vector<128x4096xf32> -> vector<128x4096xf32>
    %max3A_124 = arith.constant 0.000000e+00 : f32
    %max3A_125 = vector.broadcast %max3A_124 : f32 to vector<128x4096xf32>
    %max3A_126 = arith.maximumf %dot_general3A_123, %max3A_125 : vector<128x4096xf32>
    %convert_element_type3A_127 = arith.truncf %max3A_126 : vector<128x4096xf32> to vector<128x4096xbf16>
    %slice3A_128 = vector.extract_strided_slice %convert_element_type3A_127 {offsets = [0, 0], sizes = [128, 128], strides = [1, 1]} : vector<128x4096xbf16> to vector<128x128xbf16>
    %slice3A_129 = vector.extract_strided_slice %convert_element_type3A_127 {offsets = [0, 128], sizes = [128, 128], strides = [1, 1]} : vector<128x4096xbf16> to vector<128x128xbf16>
    %slice3A_130 = vector.extract_strided_slice %convert_element_type3A_127 {offsets = [0, 256], sizes = [128, 128], strides = [1, 1]} : vector<128x4096xbf16> to vector<128x128xbf16>
    %slice3A_131 = vector.extract_strided_slice %convert_element_type3A_127 {offsets = [0, 384], sizes = [128, 128], strides = [1, 1]} : vector<128x4096xbf16> to vector<128x128xbf16>
    %slice3A_132 = vector.extract_strided_slice %convert_element_type3A_127 {offsets = [0, 512], sizes = [128, 128], strides = [1, 1]} : vector<128x4096xbf16> to vector<128x128xbf16>
    %slice3A_133 = vector.extract_strided_slice %convert_element_type3A_127 {offsets = [0, 640], sizes = [128, 128], strides = [1, 1]} : vector<128x4096xbf16> to vector<128x128xbf16>
    %slice3A_134 = vector.extract_strided_slice %convert_element_type3A_127 {offsets = [0, 768], sizes = [128, 128], strides = [1, 1]} : vector<128x4096xbf16> to vector<128x128xbf16>
    %slice3A_135 = vector.extract_strided_slice %convert_element_type3A_127 {offsets = [0, 896], sizes = [128, 128], strides = [1, 1]} : vector<128x4096xbf16> to vector<128x128xbf16>
    %slice3A_136 = vector.extract_strided_slice %convert_element_type3A_127 {offsets = [0, 1024], sizes = [128, 128], strides = [1, 1]} : vector<128x4096xbf16> to vector<128x128xbf16>
    %slice3A_137 = vector.extract_strided_slice %convert_element_type3A_127 {offsets = [0, 1152], sizes = [128, 128], strides = [1, 1]} : vector<128x4096xbf16> to vector<128x128xbf16>
    %slice3A_138 = vector.extract_strided_slice %convert_element_type3A_127 {offsets = [0, 1280], sizes = [128, 128], strides = [1, 1]} : vector<128x4096xbf16> to vector<128x128xbf16>
    %slice3A_139 = vector.extract_strided_slice %convert_element_type3A_127 {offsets = [0, 1408], sizes = [128, 128], strides = [1, 1]} : vector<128x4096xbf16> to vector<128x128xbf16>
    %slice3A_140 = vector.extract_strided_slice %convert_element_type3A_127 {offsets = [0, 1536], sizes = [128, 128], strides = [1, 1]} : vector<128x4096xbf16> to vector<128x128xbf16>
    %slice3A_141 = vector.extract_strided_slice %convert_element_type3A_127 {offsets = [0, 1664], sizes = [128, 128], strides = [1, 1]} : vector<128x4096xbf16> to vector<128x128xbf16>
    %slice3A_142 = vector.extract_strided_slice %convert_element_type3A_127 {offsets = [0, 1792], sizes = [128, 128], strides = [1, 1]} : vector<128x4096xbf16> to vector<128x128xbf16>
    %slice3A_143 = vector.extract_strided_slice %convert_element_type3A_127 {offsets = [0, 1920], sizes = [128, 128], strides = [1, 1]} : vector<128x4096xbf16> to vector<128x128xbf16>
    %slice3A_144 = vector.extract_strided_slice %convert_element_type3A_127 {offsets = [0, 2048], sizes = [128, 128], strides = [1, 1]} : vector<128x4096xbf16> to vector<128x128xbf16>
    %slice3A_145 = vector.extract_strided_slice %convert_element_type3A_127 {offsets = [0, 2176], sizes = [128, 128], strides = [1, 1]} : vector<128x4096xbf16> to vector<128x128xbf16>
    %slice3A_146 = vector.extract_strided_slice %convert_element_type3A_127 {offsets = [0, 2304], sizes = [128, 128], strides = [1, 1]} : vector<128x4096xbf16> to vector<128x128xbf16>
    %slice3A_147 = vector.extract_strided_slice %convert_element_type3A_127 {offsets = [0, 2432], sizes = [128, 128], strides = [1, 1]} : vector<128x4096xbf16> to vector<128x128xbf16>
    %slice3A_148 = vector.extract_strided_slice %convert_element_type3A_127 {offsets = [0, 2560], sizes = [128, 128], strides = [1, 1]} : vector<128x4096xbf16> to vector<128x128xbf16>
    %slice3A_149 = vector.extract_strided_slice %convert_element_type3A_127 {offsets = [0, 2688], sizes = [128, 128], strides = [1, 1]} : vector<128x4096xbf16> to vector<128x128xbf16>
    %slice3A_150 = vector.extract_strided_slice %convert_element_type3A_127 {offsets = [0, 2816], sizes = [128, 128], strides = [1, 1]} : vector<128x4096xbf16> to vector<128x128xbf16>
    %slice3A_151 = vector.extract_strided_slice %convert_element_type3A_127 {offsets = [0, 2944], sizes = [128, 128], strides = [1, 1]} : vector<128x4096xbf16> to vector<128x128xbf16>
    %slice3A_152 = vector.extract_strided_slice %convert_element_type3A_127 {offsets = [0, 3072], sizes = [128, 128], strides = [1, 1]} : vector<128x4096xbf16> to vector<128x128xbf16>
    %slice3A_153 = vector.extract_strided_slice %convert_element_type3A_127 {offsets = [0, 3200], sizes = [128, 128], strides = [1, 1]} : vector<128x4096xbf16> to vector<128x128xbf16>
    %slice3A_154 = vector.extract_strided_slice %convert_element_type3A_127 {offsets = [0, 3328], sizes = [128, 128], strides = [1, 1]} : vector<128x4096xbf16> to vector<128x128xbf16>
    %slice3A_155 = vector.extract_strided_slice %convert_element_type3A_127 {offsets = [0, 3456], sizes = [128, 128], strides = [1, 1]} : vector<128x4096xbf16> to vector<128x128xbf16>
    %slice3A_156 = vector.extract_strided_slice %convert_element_type3A_127 {offsets = [0, 3584], sizes = [128, 128], strides = [1, 1]} : vector<128x4096xbf16> to vector<128x128xbf16>
    %slice3A_157 = vector.extract_strided_slice %convert_element_type3A_127 {offsets = [0, 3712], sizes = [128, 128], strides = [1, 1]} : vector<128x4096xbf16> to vector<128x128xbf16>
    %slice3A_158 = vector.extract_strided_slice %convert_element_type3A_127 {offsets = [0, 3840], sizes = [128, 128], strides = [1, 1]} : vector<128x4096xbf16> to vector<128x128xbf16>
    %slice3A_159 = vector.extract_strided_slice %convert_element_type3A_127 {offsets = [0, 3968], sizes = [128, 128], strides = [1, 1]} : vector<128x4096xbf16> to vector<128x128xbf16>
    %get3A_160 = arith.constant 96 : index
    %get3A_161 = arith.constant 0 : index
    %get3A_162 = vector.load %arg1[%get3A_160, %get3A_161] : memref<128x128xf32, #tpu.memory_space<vmem>>, vector<32x128xf32>
    %transpose3A_163 = tpu.transpose %get3A_162, [1, 0] : vector<32x128xf32> -> vector<128x32xf32>
    %get3A_164 = arith.constant 96 : index
    %get3A_165 = arith.constant 0 : index
    %get3A_166 = vector.load %arg2[%get3A_164, %get3A_165] : memref<128x128xf32, #tpu.memory_space<vmem>>, vector<32x128xf32>
    %transpose3A_167 = tpu.transpose %get3A_166, [1, 0] : vector<32x128xf32> -> vector<128x32xf32>
    %mul3A_168 = arith.mulf %transpose3A_163, %transpose3A_163 : vector<128x32xf32>
    %mul3A_169 = arith.mulf %transpose3A_167, %transpose3A_167 : vector<128x32xf32>
    %add3A_170 = arith.addf %mul3A_168, %mul3A_169 : vector<128x32xf32>
    %sqrt3A_171 = math.sqrt %add3A_170 : vector<128x32xf32>
    %broadcast_in_dim3A_172 = arith.constant 1.000000e+00 : f32
    %broadcast_in_dim3A_173 = vector.broadcast %broadcast_in_dim3A_172 : f32 to vector<128x32xf32>
    %concatenate3A_174 = tpu.concatenate %transpose3A_163, %transpose3A_167, %sqrt3A_171, %broadcast_in_dim3A_173 in 1 : vector<128x32xf32>, vector<128x32xf32>, vector<128x32xf32>, vector<128x32xf32> -> vector<128x128xf32>
    %convert_element_type3A_175 = arith.truncf %concatenate3A_174 : vector<128x128xf32> to vector<128x128xbf16>
    %get3A_176 = arith.constant 0 : index
    %get3A_177 = arith.constant 0 : index
    %get3A_178 = vector.load %arg3[%get3A_176, %get3A_177] : memref<128x4096xbf16, #tpu.memory_space<vmem>>, vector<128x4096xbf16>
    %dot_general3A_179 = arith.constant dense<0.000000e+00> : vector<128x4096xf32>
    %dot_general3A_180 = tpu.matmul %convert_element_type3A_175, %get3A_178, %dot_general3A_179 {dimension_numbers = #tpu.dot_dimension_numbers<[1], [0], [0], [1], [0, 0, 1, 1], [], []>, transpose_lhs_hint = false} : vector<128x128xbf16>, vector<128x4096xbf16>, vector<128x4096xf32> -> vector<128x4096xf32>
    %max3A_181 = arith.constant 0.000000e+00 : f32
    %max3A_182 = vector.broadcast %max3A_181 : f32 to vector<128x4096xf32>
    %max3A_183 = arith.maximumf %dot_general3A_180, %max3A_182 : vector<128x4096xf32>
    %convert_element_type3A_184 = arith.truncf %max3A_183 : vector<128x4096xf32> to vector<128x4096xbf16>
    %slice3A_185 = vector.extract_strided_slice %convert_element_type3A_184 {offsets = [0, 0], sizes = [128, 128], strides = [1, 1]} : vector<128x4096xbf16> to vector<128x128xbf16>
    %slice3A_186 = vector.extract_strided_slice %convert_element_type3A_184 {offsets = [0, 128], sizes = [128, 128], strides = [1, 1]} : vector<128x4096xbf16> to vector<128x128xbf16>
    %slice3A_187 = vector.extract_strided_slice %convert_element_type3A_184 {offsets = [0, 256], sizes = [128, 128], strides = [1, 1]} : vector<128x4096xbf16> to vector<128x128xbf16>
    %slice3A_188 = vector.extract_strided_slice %convert_element_type3A_184 {offsets = [0, 384], sizes = [128, 128], strides = [1, 1]} : vector<128x4096xbf16> to vector<128x128xbf16>
    %slice3A_189 = vector.extract_strided_slice %convert_element_type3A_184 {offsets = [0, 512], sizes = [128, 128], strides = [1, 1]} : vector<128x4096xbf16> to vector<128x128xbf16>
    %slice3A_190 = vector.extract_strided_slice %convert_element_type3A_184 {offsets = [0, 640], sizes = [128, 128], strides = [1, 1]} : vector<128x4096xbf16> to vector<128x128xbf16>
    %slice3A_191 = vector.extract_strided_slice %convert_element_type3A_184 {offsets = [0, 768], sizes = [128, 128], strides = [1, 1]} : vector<128x4096xbf16> to vector<128x128xbf16>
    %slice3A_192 = vector.extract_strided_slice %convert_element_type3A_184 {offsets = [0, 896], sizes = [128, 128], strides = [1, 1]} : vector<128x4096xbf16> to vector<128x128xbf16>
    %slice3A_193 = vector.extract_strided_slice %convert_element_type3A_184 {offsets = [0, 1024], sizes = [128, 128], strides = [1, 1]} : vector<128x4096xbf16> to vector<128x128xbf16>
    %slice3A_194 = vector.extract_strided_slice %convert_element_type3A_184 {offsets = [0, 1152], sizes = [128, 128], strides = [1, 1]} : vector<128x4096xbf16> to vector<128x128xbf16>
    %slice3A_195 = vector.extract_strided_slice %convert_element_type3A_184 {offsets = [0, 1280], sizes = [128, 128], strides = [1, 1]} : vector<128x4096xbf16> to vector<128x128xbf16>
    %slice3A_196 = vector.extract_strided_slice %convert_element_type3A_184 {offsets = [0, 1408], sizes = [128, 128], strides = [1, 1]} : vector<128x4096xbf16> to vector<128x128xbf16>
    %slice3A_197 = vector.extract_strided_slice %convert_element_type3A_184 {offsets = [0, 1536], sizes = [128, 128], strides = [1, 1]} : vector<128x4096xbf16> to vector<128x128xbf16>
    %slice3A_198 = vector.extract_strided_slice %convert_element_type3A_184 {offsets = [0, 1664], sizes = [128, 128], strides = [1, 1]} : vector<128x4096xbf16> to vector<128x128xbf16>
    %slice3A_199 = vector.extract_strided_slice %convert_element_type3A_184 {offsets = [0, 1792], sizes = [128, 128], strides = [1, 1]} : vector<128x4096xbf16> to vector<128x128xbf16>
    %slice3A_200 = vector.extract_strided_slice %convert_element_type3A_184 {offsets = [0, 1920], sizes = [128, 128], strides = [1, 1]} : vector<128x4096xbf16> to vector<128x128xbf16>
    %slice3A_201 = vector.extract_strided_slice %convert_element_type3A_184 {offsets = [0, 2048], sizes = [128, 128], strides = [1, 1]} : vector<128x4096xbf16> to vector<128x128xbf16>
    %slice3A_202 = vector.extract_strided_slice %convert_element_type3A_184 {offsets = [0, 2176], sizes = [128, 128], strides = [1, 1]} : vector<128x4096xbf16> to vector<128x128xbf16>
    %slice3A_203 = vector.extract_strided_slice %convert_element_type3A_184 {offsets = [0, 2304], sizes = [128, 128], strides = [1, 1]} : vector<128x4096xbf16> to vector<128x128xbf16>
    %slice3A_204 = vector.extract_strided_slice %convert_element_type3A_184 {offsets = [0, 2432], sizes = [128, 128], strides = [1, 1]} : vector<128x4096xbf16> to vector<128x128xbf16>
    %slice3A_205 = vector.extract_strided_slice %convert_element_type3A_184 {offsets = [0, 2560], sizes = [128, 128], strides = [1, 1]} : vector<128x4096xbf16> to vector<128x128xbf16>
    %slice3A_206 = vector.extract_strided_slice %convert_element_type3A_184 {offsets = [0, 2688], sizes = [128, 128], strides = [1, 1]} : vector<128x4096xbf16> to vector<128x128xbf16>
    %slice3A_207 = vector.extract_strided_slice %convert_element_type3A_184 {offsets = [0, 2816], sizes = [128, 128], strides = [1, 1]} : vector<128x4096xbf16> to vector<128x128xbf16>
    %slice3A_208 = vector.extract_strided_slice %convert_element_type3A_184 {offsets = [0, 2944], sizes = [128, 128], strides = [1, 1]} : vector<128x4096xbf16> to vector<128x128xbf16>
    %slice3A_209 = vector.extract_strided_slice %convert_element_type3A_184 {offsets = [0, 3072], sizes = [128, 128], strides = [1, 1]} : vector<128x4096xbf16> to vector<128x128xbf16>
    %slice3A_210 = vector.extract_strided_slice %convert_element_type3A_184 {offsets = [0, 3200], sizes = [128, 128], strides = [1, 1]} : vector<128x4096xbf16> to vector<128x128xbf16>
    %slice3A_211 = vector.extract_strided_slice %convert_element_type3A_184 {offsets = [0, 3328], sizes = [128, 128], strides = [1, 1]} : vector<128x4096xbf16> to vector<128x128xbf16>
    %slice3A_212 = vector.extract_strided_slice %convert_element_type3A_184 {offsets = [0, 3456], sizes = [128, 128], strides = [1, 1]} : vector<128x4096xbf16> to vector<128x128xbf16>
    %slice3A_213 = vector.extract_strided_slice %convert_element_type3A_184 {offsets = [0, 3584], sizes = [128, 128], strides = [1, 1]} : vector<128x4096xbf16> to vector<128x128xbf16>
    %slice3A_214 = vector.extract_strided_slice %convert_element_type3A_184 {offsets = [0, 3712], sizes = [128, 128], strides = [1, 1]} : vector<128x4096xbf16> to vector<128x128xbf16>
    %slice3A_215 = vector.extract_strided_slice %convert_element_type3A_184 {offsets = [0, 3840], sizes = [128, 128], strides = [1, 1]} : vector<128x4096xbf16> to vector<128x128xbf16>
    %slice3A_216 = vector.extract_strided_slice %convert_element_type3A_184 {offsets = [0, 3968], sizes = [128, 128], strides = [1, 1]} : vector<128x4096xbf16> to vector<128x128xbf16>
    %concatenate3A_217 = tpu.concatenate %slice3A, %slice3A_15, %slice3A_16, %slice3A_17, %slice3A_18, %slice3A_19, %slice3A_20, %slice3A_21, %slice3A_22, %slice3A_23, %slice3A_24, %slice3A_25, %slice3A_26, %slice3A_27, %slice3A_28, %slice3A_29, %slice3A_30, %slice3A_31, %slice3A_32, %slice3A_33, %slice3A_34, %slice3A_35, %slice3A_36, %slice3A_37, %slice3A_38, %slice3A_39, %slice3A_40, %slice3A_41, %slice3A_42, %slice3A_43, %slice3A_44, %slice3A_45, %slice3A_71, %slice3A_72, %slice3A_73, %slice3A_74, %slice3A_75, %slice3A_76, %slice3A_77, %slice3A_78, %slice3A_79, %slice3A_80, %slice3A_81, %slice3A_82, %slice3A_83, %slice3A_84, %slice3A_85, %slice3A_86, %slice3A_87, %slice3A_88, %slice3A_89, %slice3A_90, %slice3A_91, %slice3A_92, %slice3A_93, %slice3A_94, %slice3A_95, %slice3A_96, %slice3A_97, %slice3A_98, %slice3A_99, %slice3A_100, %slice3A_101, %slice3A_102, %slice3A_128, %slice3A_129, %slice3A_130, %slice3A_131, %slice3A_132, %slice3A_133, %slice3A_134, %slice3A_135, %slice3A_136, %slice3A_137, %slice3A_138, %slice3A_139, %slice3A_140, %slice3A_141, %slice3A_142, %slice3A_143, %slice3A_144, %slice3A_145, %slice3A_146, %slice3A_147, %slice3A_148, %slice3A_149, %slice3A_150, %slice3A_151, %slice3A_152, %slice3A_153, %slice3A_154, %slice3A_155, %slice3A_156, %slice3A_157, %slice3A_158, %slice3A_159, %slice3A_185, %slice3A_186, %slice3A_187, %slice3A_188, %slice3A_189, %slice3A_190, %slice3A_191, %slice3A_192, %slice3A_193, %slice3A_194, %slice3A_195, %slice3A_196, %slice3A_197, %slice3A_198, %slice3A_199, %slice3A_200, %slice3A_201, %slice3A_202, %slice3A_203, %slice3A_204, %slice3A_205, %slice3A_206, %slice3A_207, %slice3A_208, %slice3A_209, %slice3A_210, %slice3A_211, %slice3A_212, %slice3A_213, %slice3A_214, %slice3A_215, %slice3A_216 in 0 : vector<128x128xbf16>, vector<128x128xbf16>, vector<128x128xbf16>, vector<128x128xbf16>, vector<128x128xbf16>, vector<128x128xbf16>, vector<128x128xbf16>, vector<128x128xbf16>, vector<128x128xbf16>, vector<128x128xbf16>, vector<128x128xbf16>, vector<128x128xbf16>, vector<128x128xbf16>, vector<128x128xbf16>, vector<128x128xbf16>, vector<128x128xbf16>, vector<128x128xbf16>, vector<128x128xbf16>, vector<128x128xbf16>, vector<128x128xbf16>, vector<128x128xbf16>, vector<128x128xbf16>, vector<128x128xbf16>, vector<128x128xbf16>, vector<128x128xbf16>, vector<128x128xbf16>, vector<128x128xbf16>, vector<128x128xbf16>, vector<128x128xbf16>, vector<128x128xbf16>, vector<128x128xbf16>, vector<128x128xbf16>, vector<128x128xbf16>, vector<128x128xbf16>, vector<128x128xbf16>, vector<128x128xbf16>, vector<128x128xbf16>, vector<128x128xbf16>, vector<128x128xbf16>, vector<128x128xbf16>, vector<128x128xbf16>, vector<128x128xbf16>, vector<128x128xbf16>, vector<128x128xbf16>, vector<128x128xbf16>, vector<128x128xbf16>, vector<128x128xbf16>, vector<128x128xbf16>, vector<128x128xbf16>, vector<128x128xbf16>, vector<128x128xbf16>, vector<128x128xbf16>, vector<128x128xbf16>, vector<128x128xbf16>, vector<128x128xbf16>, vector<128x128xbf16>, vector<128x128xbf16>, vector<128x128xbf16>, vector<128x128xbf16>, vector<128x128xbf16>, vector<128x128xbf16>, vector<128x128xbf16>, vector<128x128xbf16>, vector<128x128xbf16>, vector<128x128xbf16>, vector<128x128xbf16>, vector<128x128xbf16>, vector<128x128xbf16>, vector<128x128xbf16>, vector<128x128xbf16>, vector<128x128xbf16>, vector<128x128xbf16>, vector<128x128xbf16>, vector<128x128xbf16>, vector<128x128xbf16>, vector<128x128xbf16>, vector<128x128xbf16>, vector<128x128xbf16>, vector<128x128xbf16>, vector<128x128xbf16>, vector<128x128xbf16>, vector<128x128xbf16>, vector<128x128xbf16>, vector<128x128xbf16>, vector<128x128xbf16>, vector<128x128xbf16>, vector<128x128xbf16>, vector<128x128xbf16>, vector<128x128xbf16>, vector<128x128xbf16>, vector<128x128xbf16>, vector<128x128xbf16>, vector<128x128xbf16>, vector<128x128xbf16>, vector<128x128xbf16>, vector<128x128xbf16>, vector<128x128xbf16>, vector<128x128xbf16>, vector<128x128xbf16>, vector<128x128xbf16>, vector<128x128xbf16>, vector<128x128xbf16>, vector<128x128xbf16>, vector<128x128xbf16>, vector<128x128xbf16>, vector<128x128xbf16>, vector<128x128xbf16>, vector<128x128xbf16>, vector<128x128xbf16>, vector<128x128xbf16>, vector<128x128xbf16>, vector<128x128xbf16>, vector<128x128xbf16>, vector<128x128xbf16>, vector<128x128xbf16>, vector<128x128xbf16>, vector<128x128xbf16>, vector<128x128xbf16>, vector<128x128xbf16>, vector<128x128xbf16>, vector<128x128xbf16>, vector<128x128xbf16>, vector<128x128xbf16>, vector<128x128xbf16>, vector<128x128xbf16>, vector<128x128xbf16>, vector<128x128xbf16>, vector<128x128xbf16> -> vector<16384x128xbf16>
    %get3A_218 = arith.constant 0 : index
    %get3A_219 = arith.constant 0 : index
    %get3A_220 = vector.load %arg4[%get3A_218, %get3A_219] : memref<128x128xbf16, #tpu.memory_space<vmem>>, vector<128x128xbf16>
    %dot_general3A_221 = arith.constant dense<0.000000e+00> : vector<16384x128xf32>
    %dot_general3A_222 = tpu.matmul %concatenate3A_217, %get3A_220, %dot_general3A_221 {dimension_numbers = #tpu.dot_dimension_numbers<[1], [0], [0], [1], [0, 0, 1, 1], [], []>, transpose_lhs_hint = false} : vector<16384x128xbf16>, vector<128x128xbf16>, vector<16384x128xf32> -> vector<16384x128xf32>
    %get3A_223 = arith.constant 0 : index
    %get3A_224 = arith.constant 0 : index
    %get3A_225 = vector.load %arg5[%get3A_223, %get3A_224] : memref<1x128xf32, #tpu.memory_space<vmem>>, vector<1x128xf32>
    %max3A_226 = vector.broadcast %get3A_225 : vector<1x128xf32> to vector<16384x128xf32>
    %max3A_227 = arith.maximumf %dot_general3A_222, %max3A_226 : vector<16384x128xf32>
    %convert_element_type3A_228 = arith.truncf %max3A_227 : vector<16384x128xf32> to vector<16384x128xbf16>
    %get3A_229 = arith.constant 0 : index
    %get3A_230 = arith.constant 0 : index
    %get3A_231 = vector.load %arg6[%get3A_229, %get3A_230] : memref<128x128xbf16, #tpu.memory_space<vmem>>, vector<128x128xbf16>
    %dot_general3A_232 = arith.constant dense<0.000000e+00> : vector<16384x128xf32>
    %dot_general3A_233 = tpu.matmul %convert_element_type3A_228, %get3A_231, %dot_general3A_232 {dimension_numbers = #tpu.dot_dimension_numbers<[1], [0], [0], [1], [0, 0, 1, 1], [], []>, transpose_lhs_hint = false} : vector<16384x128xbf16>, vector<128x128xbf16>, vector<16384x128xf32> -> vector<16384x128xf32>
    %get3A_234 = arith.constant 0 : index
    %get3A_235 = arith.constant 0 : index
    %get3A_236 = vector.load %arg7[%get3A_234, %get3A_235] : memref<1x128xf32, #tpu.memory_space<vmem>>, vector<1x128xf32>
    %add3A_237 = vector.broadcast %get3A_236 : vector<1x128xf32> to vector<16384x128xf32>
    %add3A_238 = arith.addf %dot_general3A_233, %add3A_237 : vector<16384x128xf32>
    %convert_element_type3A_239 = arith.truncf %add3A_238 : vector<16384x128xf32> to vector<16384x128xbf16>
    %mul3A_240 = arith.mulf %convert_element_type3A_239, %convert_element_type3A_239 : vector<16384x128xbf16>
    %get3A_241 = arith.constant 0 : index
    %get3A_242 = arith.constant 0 : index
    %get3A_243 = vector.load %arg10[%get3A_241, %get3A_242] : memref<128x128xbf16, #tpu.memory_space<vmem>>, vector<128x128xbf16>
    %dot_general3A_244 = arith.constant dense<0.000000e+00> : vector<16384x128xf32>
    %dot_general3A_245 = tpu.matmul %mul3A_240, %get3A_243, %dot_general3A_244 {dimension_numbers = #tpu.dot_dimension_numbers<[1], [0], [0], [1], [0, 0, 1, 1], [], []>, transpose_lhs_hint = false} : vector<16384x128xbf16>, vector<128x128xbf16>, vector<16384x128xf32> -> vector<16384x128xf32>
    %get3A_246 = arith.constant 0 : index
    %get3A_247 = arith.constant 0 : index
    %get3A_248 = vector.load %arg8[%get3A_246, %get3A_247] : memref<1x128xf32, #tpu.memory_space<vmem>>, vector<1x128xf32>
    %add3A_249 = arith.constant 9.99999974E-6 : f32
    %add3A_250 = vector.broadcast %add3A_249 : f32 to vector<16384x128xf32>
    %add3A_251 = arith.addf %dot_general3A_245, %add3A_250 : vector<16384x128xf32>
    %rsqrt3A = math.rsqrt %add3A_251 : vector<16384x128xf32>
    %mul3A_252 = arith.mulf %add3A_238, %rsqrt3A : vector<16384x128xf32>
    %mul3A_253 = vector.broadcast %get3A_248 : vector<1x128xf32> to vector<16384x128xf32>
    %mul3A_254 = arith.mulf %mul3A_253, %mul3A_252 : vector<16384x128xf32>
    %get3A_255 = arith.constant 0 : index
    %get3A_256 = arith.constant 0 : index
    %get3A_257 = vector.load %arg9[%get3A_255, %get3A_256] : memref<1x128xf32, #tpu.memory_space<vmem>>, vector<1x128xf32>
    %add3A_258 = vector.broadcast %get3A_257 : vector<1x128xf32> to vector<16384x128xf32>
    %add3A_259 = arith.addf %mul3A_254, %add3A_258 : vector<16384x128xf32>
    %swap3A = arith.constant 0 : index
    %swap3A_260 = arith.constant 0 : index
    %swap3A_261 = vector.load %arg11[%swap3A, %swap3A_260] : memref<16384x128xf32, #tpu.memory_space<vmem>>, vector<16384x128xf32>
    tpu.vector_store %arg11[%swap3A, %swap3A_260], %add3A_259 {strides = array<i32>} : memref<16384x128xf32, #tpu.memory_space<vmem>>, vector<16384x128xf32>,
    return
  }
  func.func @transform_0(%arg0: i32) -> (i32, i32) {
    %c0_i32 = arith.constant 0 : i32
    %c0_i32_0 = arith.constant 0 : i32
    return %arg0, %c0_i32 : i32, i32
  }
  func.func @transform_1(%arg0: i32) -> (i32, i32) {
    %c0_i32 = arith.constant 0 : i32
    %c0_i32_0 = arith.constant 0 : i32
    return %arg0, %c0_i32 : i32, i32
  }
  func.func @transform_2(%arg0: i32) -> (i32, i32) {
    %c0_i32 = arith.constant 0 : i32
    %c0_i32_0 = arith.constant 0 : i32
    %c0_i32_1 = arith.constant 0 : i32
    return %c0_i32, %c0_i32_0 : i32, i32
  }
  func.func @transform_3(%arg0: i32) -> (i32, i32) {
    %c0_i32 = arith.constant 0 : i32
    %c0_i32_0 = arith.constant 0 : i32
    %c0_i32_1 = arith.constant 0 : i32
    return %c0_i32, %c0_i32_0 : i32, i32
  }
  func.func @transform_4(%arg0: i32) -> (i32, i32) {
    %c0_i32 = arith.constant 0 : i32
    %c0_i32_0 = arith.constant 0 : i32
    %c0_i32_1 = arith.constant 0 : i32
    return %c0_i32, %c0_i32_0 : i32, i32
  }
  func.func @transform_5(%arg0: i32) -> (i32, i32) {
    %c0_i32 = arith.constant 0 : i32
    %c0_i32_0 = arith.constant 0 : i32
    %c0_i32_1 = arith.constant 0 : i32
    return %c0_i32, %c0_i32_0 : i32, i32
  }
  func.func @transform_6(%arg0: i32) -> (i32, i32) {
    %c0_i32 = arith.constant 0 : i32
    %c0_i32_0 = arith.constant 0 : i32
    %c0_i32_1 = arith.constant 0 : i32
    return %c0_i32, %c0_i32_0 : i32, i32
  }
  func.func @transform_7(%arg0: i32) -> (i32, i32) {
    %c0_i32 = arith.constant 0 : i32
    %c0_i32_0 = arith.constant 0 : i32
    %c0_i32_1 = arith.constant 0 : i32
    return %c0_i32, %c0_i32_0 : i32, i32
  }
  func.func @transform_8(%arg0: i32) -> (i32, i32) {
    %c0_i32 = arith.constant 0 : i32
    %c0_i32_0 = arith.constant 0 : i32
    %c0_i32_1 = arith.constant 0 : i32
    return %c0_i32, %c0_i32_0 : i32, i32
  }
  func.func @transform_9(%arg0: i32) -> (i32, i32) {
    %c0_i32 = arith.constant 0 : i32
    %c0_i32_0 = arith.constant 0 : i32
    %c0_i32_1 = arith.constant 0 : i32
    return %c0_i32, %c0_i32_0 : i32, i32
  }
  func.func @transform_10(%arg0: i32) -> (i32, i32) {
    %c0_i32 = arith.constant 0 : i32
    %c0_i32_0 = arith.constant 0 : i32
    return %arg0, %c0_i32 : i32, i32
  }
}

</mosaic_0001>

<sc_bundles>
// kernel: kernel.5.cloned.1.call-start
scs
__scs_entry_jumppad:
0x0: {  	(pc) =	sbr.rel $0x88, $3  }
0x1: {  	(tag) =	ssettag $0x0;
	lr =	simm.s32 $0x1  }
0x2: {  	[smem:$0x3F8C] =	sst lr;
	_ =	strace $0xD0000000  }
0x3: {  	_ = 	snop  }
0x4: {  	_ = 	snop  }
0x5: {  	_ = 	snop  }
0x6: {  	_ = 	snop  }
0x7: {  	_ = 	snop  }
__scs_overlays_trampoline_lowered:
0x8: {  	[smem:$0x3F9B] =	sst s0  }
0x9: {  	[smem:$0x3F9C] =	sst s1  }
0xa: {  	[smem:$0x3F9D] =	sst s2  }
0xb: {  	[smem:$0x3F9E] =	sst s3  }
0xc: {  	[smem:$0x3F9F] =	sst s4  }
0xd: {  	[smem:$0x3FA0] =	sst s5  }
0xe: {  	[smem:$0x3FA1] =	sst s6  }
0xf: {  	[smem:$0x3FA2] =	sst s7  }
0x10: {  	[smem:$0x3FA3] =	sst s8  }
0x11: {  	[smem:$0x3FA4] =	sst s9;
	s0 =	simm.s32 @!p0 $0x0  }
0x12: {  	s1 =	sld [smem:$0x3F8A];
	s0 =	simm.s32 @p0 $0x1  }
0x13: {  	[smem:$0x3FA5] =	sst s0;
	s0 =	simm.s32 @!p1 $0x0  }
0x14: {  	s2 =	sld [smem:$0x3F89];
	s0 =	simm.s32 @p1 $0x1  }
0x15: {  	[smem:$0x3FA6] =	sst s0;
	s0 =	simm.s32 @!p2 $0x0  }
0x16: {  	s3 =	sld [smem:$0x3FDB];
	s0 =	simm.s32 @p2 $0x1  }
0x17: {  	s4 =	simm.s32 $0x1BF5;
	[smem:$0x3FA8] =	sst s0  }
0x18: {  	s0 =	sld [smem:$0x3F8B];
	_ =	swait.ge [sflag:s4], $0x0  }
0x19: {  	s7 =	sld [smem:$0x3F8C]  }
0x1a: {  	s8 =	sadd.s32 $0xFFFFE003, lr  }
0x1b: {  	s9 =	sadd.s32 $0xFFFFFEF7, lr;
	s5 =	simm.s32 $0xFFFFFFFF;
	p2 =	slt.u32 s8, $0xFFFFF086  }
0x1c: {  	p1 =	slt.u32 s9, $0xF7A;
	s5 =	simm.s32 @!p2 $0x0  }
0x1d: {  	s5 =	simm.s32 @p1 $0x1;
	p0 =	seq.s32 s7, s2  }
0x1e: {  	s7 =	smul.u32 @!p0 $0xF7A, s2;
	p2 =	seq.s32 @!p0 s5, $0x0  }
0x1f: {  	s9 =	smul.u32 $0xF7A, s1;
	s8 =	simm.s32 @!p0 $0x1BF5;
	p2 =	por !p2, p0  }
0x20: {  	[sflag:s8] =	ssyncset.s32 @!p0 $0xFFFFF086;
	s6 =	sadd.s32 @!p0 s3, s7;
	s7 =	simm.s32 @!p0 $0x108  }
0x21: {  	s3 =	sadd.s32 s3, s9;
	s6 =	sadd.s32 @!p0 $0x88, s6;
	s7 =	simm.s32 @p2 $0x1082  }
0x22: {  	[simem:s7], [sflag:s8] =	dma.local @!p0 [hbm:s6], $0xF7A  }
0x23: {  	s9 =	sor.u32 $0xD0000000, s2;
	s6 =	simm.s32 $0x108;
	_ =	swait.ge @!p0 [sflag:s8], $0x0  }
0x24: {  	s3 =	sadd.s32 $0x88, s3;
	s6 =	simm.s32 @!p1 $0x1082;
	[sflag:s4] =	ssyncset.s32 $0xFFFFF086  }
0x25: {  	[simem:s6], [sflag:s4] =	dma.local [hbm:s3], $0xF7A  }
0x26: {  	[smem:$0x3F8C] =	sst s1;
	(tag) =	ssettag s2;
	_ =	strace s9  }
0x27: {  	s1 =	sld [smem:$0x3F9C]  }
0x28: {  	s2 =	sld [smem:$0x3F9D]  }
0x29: {  	s4 =	sld [smem:$0x3F9F]  }
0x2a: {  	p0 =	seq.s32 s5, $0x0;
	s5 =	sld [smem:$0x3FA0]  }
0x2b: {  	s6 =	sld [smem:$0x3FA1]  }
0x2c: {  	s7 =	sld [smem:$0x3FA2]  }
0x2d: {  	s3 =	simm.s32 $0x108;
	s8 =	sld [smem:$0x3FA3]  }
0x2e: {  	s3 =	simm.s32 @!p0 $0x1082;
	s9 =	sld [smem:$0x3FA4]  }
0x2f: {  	lr =	sadd.s32 s0, s3;
	s0 =	sld [smem:$0x3F9B]  }
0x30: {  	s3 =	sld [smem:$0x3F9E]  }
0x31: {  	[smem:$0x3FA7] =	sst s10  }
0x32: {  	s10 =	sld [smem:$0x3FA5];
	_ =	sdelay $0x3  }
0x33: {  	p0 =	seq.s32 s10, $0x1;
	s10 =	sld [smem:$0x3FA7];
	_ =	sdelay $0x3  }
0x34: {  	[smem:$0x3FA7] =	sst s10  }
0x35: {  	s10 =	sld [smem:$0x3FA6];
	_ =	sdelay $0x3  }
0x36: {  	p1 =	seq.s32 s10, $0x1;
	s10 =	sld [smem:$0x3FA7];
	_ =	sdelay $0x3  }
0x37: {  	[smem:$0x3FA7] =	sst s10  }
0x38: {  	s10 =	sld [smem:$0x3FA8]  }
0x39: {  	_ = 	snop;
	(pc) =	sbr.ind lr, $3  }
0x3a: {  	_ = 	snop  }
0x3b: {  	_ = 	snop  }
0x3c: {  	p2 =	seq.s32 s10, $0x1;
	s10 =	sld [smem:$0x3FA7]  }
0x3d: {  	_ =	shalt  }
0x3e: {  	_ =	shalt  }
0x3f: {  	_ =	shalt  }
0x40: {  	_ =	shalt  }
0x41: {  	_ =	shalt  }
0x42: {  	_ =	shalt  }
0x43: {  	_ =	shalt  }
0x44: {  	_ =	shalt  }
0x45: {  	_ =	shalt  }
0x46: {  	_ =	shalt  }
0x47: {  	_ =	shalt  }
0x48: {  	_ =	shalt  }
0x49: {  	_ =	shalt  }
0x4a: {  	_ =	shalt  }
0x4b: {  	_ =	shalt  }
0x4c: {  	_ =	shalt  }
0x4d: {  	_ =	shalt  }
0x4e: {  	_ =	shalt  }
0x4f: {  	_ =	shalt  }
0x50: {  	_ =	shalt  }
0x51: {  	_ =	shalt  }
0x52: {  	_ =	shalt  }
0x53: {  	_ =	shalt  }
0x54: {  	_ =	shalt  }
0x55: {  	_ =	shalt  }
0x56: {  	_ =	shalt  }
0x57: {  	_ =	shalt  }
0x58: {  	_ =	shalt  }
0x59: {  	_ =	shalt  }
0x5a: {  	_ =	shalt  }
0x5b: {  	_ =	shalt  }
0x5c: {  	_ =	shalt  }
0x5d: {  	_ =	shalt  }
0x5e: {  	_ =	shalt  }
0x5f: {  	_ =	shalt  }
0x60: {  	_ =	shalt  }
0x61: {  	_ =	shalt  }
0x62: {  	_ =	shalt  }
0x63: {  	_ =	shalt  }
0x64: {  	_ =	shalt  }
0x65: {  	_ =	shalt  }
0x66: {  	_ =	shalt  }
0x67: {  	_ =	shalt  }
0x68: {  	_ =	shalt  }
0x69: {  	_ =	shalt  }
0x6a: {  	_ =	shalt  }
0x6b: {  	_ =	shalt  }
0x6c: {  	_ =	shalt  }
0x6d: {  	_ =	shalt  }
0x6e: {  	_ =	shalt  }
0x6f: {  	_ =	shalt  }
0x70: {  	_ =	shalt  }
0x71: {  	_ =	shalt  }
0x72: {  	_ =	shalt  }
0x73: {  	_ =	shalt  }
0x74: {  	_ =	shalt  }
0x75: {  	_ =	shalt  }
0x76: {  	_ =	shalt  }
0x77: {  	_ =	shalt  }
0x78: {  	_ =	shalt  }
0x79: {  	_ =	shalt  }
0x7a: {  	_ =	shalt  }
0x7b: {  	_ =	shalt  }
0x7c: {  	_ =	shalt  }
0x7d: {  	_ =	shalt  }
0x7e: {  	_ =	shalt  }
0x7f: {  	_ =	shalt  }
0x80: {  	_ =	shalt  }
0x81: {  	_ =	shalt  }
0x82: {  	_ =	shalt  }
0x83: {  	_ =	shalt  }
0x84: {  	_ =	shalt  }
0x85: {  	_ =	shalt  }
0x86: {  	_ =	shalt  }
0x87: {  	_ =	shalt  }
.Lfunc_end0:
.L_simem_size_0:
called_computation_lowered:
.L_overlay_start_0:
0x88: {  	s2 =	sld [smem:$0x3FD9]  }
0x89: {  	s3 =	sld [smem:$0x3FFE];
	_ =	sdelay $0x1  }
0x8a: {  	s1 =	srdreg.scid  }
0x8b: {  	s0 =	sand.u32 $0x1, s1  }
0x8c: {  	s16 =	sshll.u32 s0, $0xA;
	s2 =	sadd.s32 s3, s2  }
0x8d: {  	s2 =	sadd.s32 s2, s16  }
0x8e: {  	[smem:$0x3FB3] =	sst s2  }
0x8f: {  	_ = 	snop  }
0x90: {  	(tm) =	ssettm $0x1  }
0x91: {  	s17 =	sld [smem:$0x3FFB];
	_ =	sdelay $0x3  }
0x92: {  	_ =	strace s17  }
0x93: {  	s2 =	sld [smem:$0x3FFC];
	_ =	sdelay $0x3  }
0x94: {  	_ =	strace s2  }
0x95: {  	s2 =	sld [smem:$0x3FFD];
	_ =	sdelay $0x3  }
0x96: {  	_ =	strace s2  }
0x97: {  	_ =	strace $0x8FFFFFFF  }
0x98: {  	s18 =	sld [smem:$0x3FDB];
	_ =	sdelay $0x1  }
0x99: {  	s19 =	simm.s32 $_scs_section_size  }
0x9a: {  	s4 =	simm.s32 $_size__tile_overlayer_lowered;
	s5 =	simm.s32 $_tile_overlayer_lowered  }
0x9b: {  	s22 =	simm.s32 $0x1BFF;
	s21 =	sshll.u32 s5, $0x1;
	s2 =	sadd.s32 s19, s18  }
0x9c: {  	s6 =	simm.s32 $0x0;
	s20 =	sshll.u32 s4, $0x1;
	s4 =	sadd.s32 s21, s2  }
0x9d: {  	[timem:s6], [sflag:s22] =	dma.local [hbm:s4], s20  }
0x9e: {  	_ =	swait.ge [sflag:s22], s20  }
0x9f: {  	s3 =	ssub.s32 $0x0, s20;
	[sflag:s22] =	ssyncset.done $0x0  }
0xa0: {  	[sflag:s22] =	ssyncadd.s32 s3;
	_ =	sdelay $0x1  }
0xa1: {  	s23 =	simm.s32 $0x1B8B  }
0xa2: {  	_ =	swait.ge [sflag:s23], $0x1  }
0xa3: {  	[sflag:s23] =	ssyncset.done $0x0  }
0xa4: {  	s25 =	simm.s32 $0x1B8E;
	s24 =	sld [smem:$0x3FFE];
	[sflag:s23] =	ssyncadd.s32 $0xFFFFFFFF  }
0xa5: {  	s26 =	simm.s32 $execute0_lowered;
	[smem:$0x3FD2] =	sst s25  }
0xa6: {  	s4 =	sshll.u32 s26, $0x1;
	_ =	strace $0x80000046;
	[dreg:$0x1] =	wrdreg $0xFFFFFFFF  }
0xa7: {  	s28 =	simm.s32 $_size_execute0_lowered;
	s2 =	sadd.s32 s2, s4;
	[dreg:$0x0] =	wrdreg $0x0  }
0xa8: {  	s4 =	sshll.u32 s28, $0x1;
	[dreg:$0x2] =	wrdreg s2  }
0xa9: {  	[dreg:$0x3] =	wrdreg s4  }
0xaa: {  	[dreg:$0x4] =	wrdreg $0xC0  }
0xab: {  	_ =	task [dreg:s6], $0x5FFFF  }
0xac: {  	[dreg:$0x1] =	wrdreg $0xFFFFFFFF  }
0xad: {  	[dreg:$0x0] =	wrdreg $0x60  }
0xae: {  	[dreg:$0x2] =	wrdreg s24  }
0xaf: {  	[dreg:$0x3] =	wrdreg $0x9  }
0xb0: {  	_ =	task.clear_ibuf [dreg:s6], $0x4FFFF;
	_ =	strace $0x90000046  }
0xb1: {  	s29 =	simm.s32 $0x9;
	_ =	strace $0x80000048  }
0xb2: {  	_ =	swait.ge [sflag:s29], $0x1  }
0xb3: {  	[sflag:s29] =	ssyncadd.s32 $0xFFFFFFFF  }
0xb4: {  	_ =	strace $0x90000048  }
0xb5: {  	_ =	sfence  }
0xb6: {  	s30 =	sld [smem:$0x0];
	_ =	sdelay $0x2  }
0xb7: {  	s31 =	sshll.u32 s1, $0xD;
	s1 =	sshrl.u32 s1, $0x2  }
0xb8: {  	s3 =	sand.u32 $0x4000, s31;
	s1 =	sadd.s32 s1, s30  }
0xb9: {  	s0 =	sor.u32 s3, s0;
	s1 =	sshll.u32 s1, $0x11  }
0xba: {  	s0 =	sor.u32 s1, s0  }
0xbb: {  	s0 =	sadd.s32 $0x8F2B, s0  }
0xbc: {  	[sflag:s0] =	ssyncadd.remote.s32 $0x1  }
0xbd: {  	_ =	sfence.sel $0xFFFF  }
0xbe: {  	[dreg:$0x0] =	wrdreg $0xFFFFFFFF;
	(pc) =	sbr.abs _section_cstart, $3  }
0xbf: {  	[dreg:$0x1] =	wrdreg $0xFFFFFFFF  }
0xc0: {  	_ =	task.clear_ibuf [dreg:s6], $0x2FFFF;
	_ =	strace $0x9FFFFFFF  }
0xc1: {  	(tm) =	ssettm $0x7FFFFFFF  }
tec
execute0_lowered:
.L_overlay_start_1:
0x0: {  	(tag) =	ssettag $0x1  }
0x1: {  	s8 =	rddreg [dreg:$0x0]  }
0x2: {  	s0 =	rddreg [dreg:$0x1];
	s1 =	simm.s32 $0x0;
	s7 =	srdreg.scid  }
0x3: {  	s2 =	stileid.u32;
	s15 =	simm.s32 $0x19700;
	s16 =	simm.s32 $0x1A700  }
0x4: {  	s17 =	simm.s32 $0x1B700;
	s18 =	simm.s32 $0x0;
	[smem:$0x7FF] =	sst s1  }
0x5: {  	s3 =	sadd.s32 $0x2200, s8;
	s4 =	sadd.s32 $0x800, s8;
	s5 =	sadd.s32 $0x1CC00, s8  }
0x6: {  	s6 =	sadd.s32 $0x3C00, s8;
	s9 =	sand.u32 $0x1, s7;
	s10 =	sshll.u32 s2, $0x1  }
0x7: {  	s7 =	sadd.s32 $0x35C00, s8;
	s8 =	sadd.s32 $0x4EC00, s8;
	p0 =	slt.u32 s2, $0x4  }
0x8: {  	_ =	strace $0x80000047;
	s11 =	ssub.s32 $0x2, s9;
	s10 =	sor.u32 s9, s10  }
0x9: {  	s9 =	simm.s32 $0x7;
	s12 =	sshrl.u32 s11, $0x1;
	s13 =	smul.u32 $0x6, s10  }
0xa: {  	s14 =	smul.u32 $0x7, s10;
	s9 =	simm.s32 @!p0 $0x6;
	s11 =	ssub.s32 s11, s12  }
0xb: {  	s12 =	simm.s32 $0x1;
	s10 =	sadd.s32 $0x8, s13;
	s11 =	smax.u32 s11, $0x1  }
0xc: {  	s13 =	simm.s32 $0xC380;
	s10 =	smov.u32 @p0 s14;
	s14 =	simm.s32 $0x18700  }
.LBB2_1:
0xd: {  	[tilespmem:s1], [sflag:$0x1] =	stream.linear.gather [hbm4b:s3+s1], $0xC380, $0x38;
	[tilespmem:$0x1C700] =	vst v63  }
0xe: {  	_ =	swait.ge [sflag:s12], $0xC380  }
0xf: {  	[sflag:s12] =	ssyncset.done $0x0  }
0x10: {  	[sflag:s12] =	ssyncadd.s32 $0xFFFF3C80  }
0x11: {  	[tilespmem:s13], [sflag:$0x1] =	stream.linear.gather [hbm4b:s4+s1], $0xC380, $0x38;
	[tilespmem:$0x1C700] =	vst v63  }
0x12: {  	_ =	swait.ge [sflag:s12], $0xC380  }
0x13: {  	[sflag:s12] =	ssyncset.done $0x0  }
0x14: {  	s19 =	simm.s32 $0x0;
	[sflag:s12] =	ssyncadd.s32 $0xFFFF3C80  }
.LBB2_2:
0x15: {  	s20 =	sadd.s32 s10, s19  }
0x16: {  	s20 =	sshll.u32 s20, $0x9  }
0x17: {  	s21 =	sadd.s32 s5, s20  }
0x18: {  	[tilespmem:s14], [sflag:$0x1] =	stream.linear.gather [hbm4b:s21+s1], $0x1000, $0x38;
	[tilespmem:$0x1C700] =	vst v63  }
0x19: {  	_ =	swait.ge [sflag:s12], $0x1000  }
0x1a: {  	[sflag:s12] =	ssyncset.done $0x0  }
0x1b: {  	s31 =	sadd.s32 s6, s20;
	[sflag:s12] =	ssyncadd.s32 $0xFFFFF000  }
0x1c: {  	[tilespmem:s15], [sflag:$0x1] =	stream.linear.gather [hbm4b:s31+s1], $0x1000, $0x38;
	[tilespmem:$0x1C700] =	vst v63  }
0x1d: {  	_ =	swait.ge [sflag:s12], $0x1000  }
0x1e: {  	[sflag:s12] =	ssyncset.done $0x0  }
0x1f: {  	s23 =	simm.s32 $0x18740;
	[sflag:s12] =	ssyncadd.s32 $0xFFFFF000  }
0x20: {  	s21 =	simm.s32 $0x19740;
	v0 =	vld [tilespmem:s23+$0x30]  }
0x21: {  	v1 =	vld [tilespmem:s21+$0x30]  }
0x22: {  	v2 =	vld [tilespmem:s21+$0xFFFFFFC0]  }
0x23: {  	v3 =	vld [tilespmem:s23+$0xFFFFFFD0]  }
0x24: {  	v4 =	vld [tilespmem:s21+$0xFFFFFFD0]  }
0x25: {  	v5 =	vld [tilespmem:s23+$0xFFFFFFE0]  }
0x26: {  	v6 =	vld [tilespmem:s21+$0xFFFFFFE0]  }
0x27: {  	v7 =	vld [tilespmem:s23+$0xFFFFFFF0]  }
0x28: {  	v10 =	vld [tilespmem:s21+$0xFFFFFFF0]  }
0x29: {  	v11 =	vld [tilespmem:s23+$0x0]  }
0x2a: {  	v12 =	vld [tilespmem:s21+$0x0]  }
0x2b: {  	v13 =	vld [tilespmem:s23+$0x10]  }
0x2c: {  	v14 =	vld [tilespmem:s21+$0x10]  }
0x2d: {  	v15 =	vld [tilespmem:s23+$0x20]  }
0x2e: {  	v16 =	vld [tilespmem:s23+$0xFFFFFFC0]  }
0x2f: {  	v60 =	vld [tilespmem:s21+$0x20]  }
0x30: {  	v8 =	vld.idx.msk [tilespmem:v0+s1+$0x0], $0xffff  }
0x31: {  	v9 =	vld.idx.msk [tilespmem:v1+s1+$0x0], $0xffff  }
0x32: {  	v17 =	vld.idx.msk [tilespmem:v3+s1+$0x0], $0xffff  }
0x33: {  	v18 =	vld.idx.msk [tilespmem:v4+s1+$0x0], $0xffff  }
0x34: {  	v19 =	vld.idx.msk [tilespmem:v5+s1+$0x0], $0xffff  }
0x35: {  	v20 =	vld.idx.msk [tilespmem:v6+s1+$0x0], $0xffff  }
0x36: {  	v21 =	vld.idx.msk [tilespmem:v16+s1+$0x0], $0xffff  }
0x37: {  	v22 =	vld.idx.msk [tilespmem:v7+s1+$0x0], $0xffff  }
0x38: {  	v23 =	vld.idx.msk [tilespmem:v10+s1+$0x0], $0xffff  }
0x39: {  	v24 =	vld.idx.msk [tilespmem:v11+s1+$0x0], $0xffff  }
0x3a: {  	v25 =	vld.idx.msk [tilespmem:v12+s1+$0x0], $0xffff  }
0x3b: {  	v26 =	vld.idx.msk [tilespmem:v13+s1+$0x0], $0xffff  }
0x3c: {  	v61 =	vld.idx.msk [tilespmem:v14+s1+$0x0], $0xffff;
	v8 =	vsub.f32 v8, v9  }
0x3d: {  	s22 =	simm.s32 $0x1A740;
	v27 =	vld.idx.msk [tilespmem:v15+s1+$0x0], $0xffff  }
0x3e: {  	v17 =	vsub.f32 v17, v18;
	[tilespmem:s22+$0x30] =	vst v8;
	v8 =	vld.idx.msk [tilespmem:v2+s1+$0x0], $0xffff  }
0x3f: {  	v0 =	vld.idx.msk [tilespmem:v0+s13+$0x0], $0xffff  }
0x40: {  	v62 =	vsub.f32 v19, v20;
	[tilespmem:s22+$0xFFFFFFD0] =	vst v17;
	v1 =	vld.idx.msk [tilespmem:v1+s13+$0x0], $0xffff  }
0x41: {  	v63 =	vld.idx.msk [tilespmem:v3+s13+$0x0], $0xffff  }
0x42: {  	[tilespmem:s22+$0xFFFFFFE0] =	vst v62;
	v4 =	vld.idx.msk [tilespmem:v4+s13+$0x0], $0xffff  }
0x43: {  	v5 =	vld.idx.msk [tilespmem:v5+s13+$0x0], $0xffff;
	v8 =	vsub.f32 v21, v8  }
0x44: {  	v6 =	vld.idx.msk [tilespmem:v6+s13+$0x0], $0xffff  }
0x45: {  	v3 =	vsub.f32 v22, v23;
	[tilespmem:s22+$0xFFFFFFC0] =	vst v8;
	v8 =	vld.idx.msk [tilespmem:v60+s1+$0x0], $0xffff  }
0x46: {  	v16 =	vld.idx.msk [tilespmem:v16+s13+$0x0], $0xffff  }
0x47: {  	[tilespmem:s22+$0xFFFFFFF0] =	vst v3;
	v3 =	vsub.f32 v24, v25;
	v2 =	vld.idx.msk [tilespmem:v2+s13+$0x0], $0xffff  }
0x48: {  	v7 =	vld.idx.msk [tilespmem:v7+s13+$0x0], $0xffff;
	v0 =	vsub.f32 v0, v1  }
0x49: {  	s23 =	simm.s32 $0x1B740;
	v10 =	vld.idx.msk [tilespmem:v10+s13+$0x0], $0xffff;
	[tilespmem:s22+$0x0] =	vst v3;
	v1 =	vsub.f32 v26, v61  }
0x4a: {  	v3 =	vld.idx.msk [tilespmem:v12+s13+$0x0], $0xffff;
	v5 =	vsub.f32 v5, v6;
	[tilespmem:s23+$0x30] =	vst v0  }
0x4b: {  	v0 =	vld.idx.msk [tilespmem:v11+s13+$0x0], $0xffff;
	[tilespmem:s22+$0x10] =	vst v1;
	v8 =	vsub.f32 v27, v8  }
0x4c: {  	[tilespmem:s23+$0xFFFFFFE0] =	vst v5;
	v1 =	vld.idx.msk [tilespmem:v13+s13+$0x0], $0xffff;
	v2 =	vsub.f32 v16, v2  }
0x4d: {  	[tilespmem:s22+$0x20] =	vst v8;
	v8 =	vsub.f32 v63, v4;
	v4 =	vld.idx.msk [tilespmem:v14+s13+$0x0], $0xffff  }
0x4e: {  	[tilespmem:s23+$0xFFFFFFC0] =	vst v2;
	v2 =	vld.idx.msk [tilespmem:v15+s13+$0x0], $0xffff  }
0x4f: {  	s24 =	simm.s32 $0x0;
	s25 =	simm.s32 $0x187C0;
	v6 =	vsub.f32 v7, v10;
	v5 =	vld.idx.msk [tilespmem:v60+s13+$0x0], $0xffff;
	[tilespmem:s23+$0xFFFFFFD0] =	vst v8  }
.LBB2_3:
0x50: {  	v7 =	vld [tilespmem:s25+$0x30];
	s21 =	sadd.s32 $0x80, s21  }
0x51: {  	v0 =	vsub.f32 v0, v3;
	v8 =	vld [tilespmem:s21+$0x30];
	[tilespmem:s23+$0xFFFFFFF0] =	vst v6  }
0x52: {  	s24 =	sadd.s32 $0x8, s24;
	v3 =	vld [tilespmem:s21+$0xFFFFFFC0]  }
0x53: {  	p0 =	slt.u32 s24, $0xF8;
	v6 =	vld [tilespmem:s25+$0xFFFFFFD0];
	[tilespmem:s23+$0x0] =	vst v0;
	v0 =	vsub.f32 v1, v4  }
0x54: {  	v1 =	vld [tilespmem:s21+$0xFFFFFFD0]  }
0x55: {  	v4 =	vld [tilespmem:s25+$0xFFFFFFE0];
	[tilespmem:s23+$0x10] =	vst v0;
	v0 =	vsub.f32 v2, v5  }
0x56: {  	v2 =	vld [tilespmem:s21+$0xFFFFFFE0]  }
0x57: {  	v5 =	vld [tilespmem:s25+$0xFFFFFFF0];
	[tilespmem:s23+$0x20] =	vst v0  }
0x58: {  	v0 =	vld.idx.msk [tilespmem:v7+s1+$0x0], $0xffff  }
0x59: {  	v9 =	vld.idx.msk [tilespmem:v8+s1+$0x0], $0xffff  }
0x5a: {  	v10 =	vld [tilespmem:s21+$0xFFFFFFF0]  }
0x5b: {  	v11 =	vld [tilespmem:s25+$0x0]  }
0x5c: {  	v12 =	vld [tilespmem:s21+$0x0]  }
0x5d: {  	v13 =	vld [tilespmem:s25+$0x10]  }
0x5e: {  	v14 =	vld [tilespmem:s21+$0x10]  }
0x5f: {  	v0 =	vsub.f32 v0, v9;
	v15 =	vld [tilespmem:s25+$0x20]  }
0x60: {  	s22 =	sadd.s32 $0x80, s22;
	v9 =	vld [tilespmem:s21+$0x20]  }
0x61: {  	v16 =	vld [tilespmem:s25+$0xFFFFFFC0];
	[tilespmem:s22+$0x30] =	vst v0  }
0x62: {  	v0 =	vld.idx.msk [tilespmem:v7+s13+$0x0], $0xffff  }
0x63: {  	v7 =	vld.idx.msk [tilespmem:v8+s13+$0x0], $0xffff  }
0x64: {  	v8 =	vld.idx.msk [tilespmem:v3+s1+$0x0], $0xffff  }
0x65: {  	v17 =	vld.idx.msk [tilespmem:v6+s1+$0x0], $0xffff  }
0x66: {  	v18 =	vld.idx.msk [tilespmem:v1+s1+$0x0], $0xffff  }
0x67: {  	v19 =	vld.idx.msk [tilespmem:v4+s1+$0x0], $0xffff  }
0x68: {  	v20 =	vld.idx.msk [tilespmem:v2+s1+$0x0], $0xffff  }
0x69: {  	v0 =	vsub.f32 v0, v7;
	v21 =	vld.idx.msk [tilespmem:v16+s1+$0x0], $0xffff  }
0x6a: {  	s23 =	sadd.s32 $0x80, s23;
	v7 =	vld.idx.msk [tilespmem:v5+s1+$0x0], $0xffff  }
0x6b: {  	v22 =	vld.idx.msk [tilespmem:v10+s1+$0x0], $0xffff;
	[tilespmem:s23+$0x30] =	vst v0  }
0x6c: {  	v0 =	vsub.f32 v17, v18;
	v17 =	vld.idx.msk [tilespmem:v11+s1+$0x0], $0xffff  }
0x6d: {  	v18 =	vld.idx.msk [tilespmem:v12+s1+$0x0], $0xffff  }
0x6e: {  	[tilespmem:s22+$0xFFFFFFD0] =	vst v0;
	v0 =	vsub.f32 v19, v20;
	v19 =	vld.idx.msk [tilespmem:v13+s1+$0x0], $0xffff  }
0x6f: {  	v8 =	vsub.f32 v21, v8;
	v20 =	vld.idx.msk [tilespmem:v14+s1+$0x0], $0xffff  }
0x70: {  	[tilespmem:s22+$0xFFFFFFE0] =	vst v0;
	v0 =	vld.idx.msk [tilespmem:v15+s1+$0x0], $0xffff  }
0x71: {  	v7 =	vsub.f32 v7, v22;
	[tilespmem:s22+$0xFFFFFFC0] =	vst v8;
	v8 =	vld.idx.msk [tilespmem:v9+s1+$0x0], $0xffff  }
0x72: {  	v16 =	vld.idx.msk [tilespmem:v16+s13+$0x0], $0xffff  }
0x73: {  	v3 =	vld.idx.msk [tilespmem:v3+s13+$0x0], $0xffff;
	[tilespmem:s22+$0xFFFFFFF0] =	vst v7;
	v7 =	vsub.f32 v17, v18  }
0x74: {  	v6 =	vld.idx.msk [tilespmem:v6+s13+$0x0], $0xffff  }
0x75: {  	v1 =	vld.idx.msk [tilespmem:v1+s13+$0x0], $0xffff;
	[tilespmem:s22+$0x0] =	vst v7;
	v7 =	vsub.f32 v19, v20  }
0x76: {  	v4 =	vld.idx.msk [tilespmem:v4+s13+$0x0], $0xffff  }
0x77: {  	v0 =	vsub.f32 v0, v8;
	v2 =	vld.idx.msk [tilespmem:v2+s13+$0x0], $0xffff;
	[tilespmem:s22+$0x10] =	vst v7  }
0x78: {  	v5 =	vld.idx.msk [tilespmem:v5+s13+$0x0], $0xffff  }
0x79: {  	v3 =	vsub.f32 v16, v3;
	v7 =	vld.idx.msk [tilespmem:v10+s13+$0x0], $0xffff;
	[tilespmem:s22+$0x20] =	vst v0  }
0x7a: {  	v0 =	vld.idx.msk [tilespmem:v11+s13+$0x0], $0xffff  }
.Ltmp0:
0x7b: {  	v6 =	vsub.f32 v6, v1;
	[tilespmem:s23+$0xFFFFFFC0] =	vst v3;
	v3 =	vld.idx.msk [tilespmem:v12+s13+$0x0], $0xffff;
	(pc) =	sbr.rel @p0 .LBB2_3-.Ltmp0, $4  }
0x7c: {  	v1 =	vld.idx.msk [tilespmem:v13+s13+$0x0], $0xffff  }
0x7d: {  	[tilespmem:s23+$0xFFFFFFD0] =	vst v6;
	v6 =	vsub.f32 v4, v2;
	v4 =	vld.idx.msk [tilespmem:v14+s13+$0x0], $0xffff  }
0x7e: {  	v2 =	vld.idx.msk [tilespmem:v15+s13+$0x0], $0xffff  }
0x7f: {  	s25 =	sadd.s32 $0x80, s25;
	[tilespmem:s23+$0xFFFFFFE0] =	vst v6;
	v6 =	vsub.f32 v5, v7;
	v5 =	vld.idx.msk [tilespmem:v9+s13+$0x0], $0xffff  }
0x80: {  	_ =	sdelay $0x1  }
0x81: {  	v0 =	vsub.f32 v0, v3  }
0x82: {  	[tilespmem:s23+$0xFFFFFFF0] =	vst v6;
	v1 =	vsub.f32 v1, v4  }
0x83: {  	[tilespmem:s23+$0x0] =	vst v0;
	v63 =	vsub.f32 v2, v5  }
0x84: {  	[tilespmem:s23+$0x10] =	vst v1  }
0x85: {  	s21 =	sadd.s32 s7, s20;
	[tilespmem:s23+$0x20] =	vst v63  }
0x86: {  	[hbm4b:s21+s1] =	stream.linear.scatter [tilespmem:s16], [sflag:$0x1], $0x1000, $0x38;
	[tilespmem:$0x1C700] =	vst v63  }
0x87: {  	s19 =	sadd.s32 $0x1, s19;
	_ =	swait.ge [sflag:s12], $0x1000  }
0x88: {  	p0 =	sne.s32 s19, s9;
	[sflag:s12] =	ssyncset.done $0x0  }
.Ltmp1:
0x89: {  	s31 =	sadd.s32 s8, s20;
	[sflag:s12] =	ssyncadd.s32 $0xFFFFF000;
	(pc) =	sbr.rel @p0 .LBB2_2-.Ltmp1, $4  }
0x8a: {  	[hbm4b:s31+s1] =	stream.linear.scatter [tilespmem:s17], [sflag:$0x1], $0x1000, $0x38;
	[tilespmem:$0x1C700] =	vst v63  }
0x8b: {  	_ =	swait.ge [sflag:s12], $0x1000  }
0x8c: {  	[sflag:s12] =	ssyncset.done $0x0  }
0x8d: {  	[sflag:s12] =	ssyncadd.s32 $0xFFFFF000  }
0x8e: {  	s18 =	sadd.s32 $0x1, s18  }
0x8f: {  	p0 =	sne.s32 s18, s11  }
.Ltmp2:
0x90: {  	_ = 	snop;
	(pc) =	sbr.rel @p0 .LBB2_1-.Ltmp2, $1  }
0x91: {  	_ =	sdelay $0x3  }
0x92: {  	_ =	sfence.sel $0x180000  }
0x93: {  	[bflag:$0x0] =	sbarrier.arrive $0xFFFF  }
0x94: {  	p0 =	sne.s32 s2, $0x0;
	_ =	strace $0x90000047  }
0x95: {  	s0 =	sadd.s32 @!p0 $0x100000, s0;
	[bflag:$0x2] =	sbarrier.arrive $0xFFFF  }
0x96: {  	[sflag:s0] =	ssyncadd.tile.s32 @!p0 $0x1;
	_ =	shalt  }
.Lfunc_end2:
_tile_overlayer_lowered:
.L_overlay_start_2:
0x97: {  	(tag) =	ssettag $0x2  }
0x98: {  	s0 =	rddreg [dreg:$0x0];
	s2 =	stileid.u32  }
0x99: {  	s1 =	rddreg [dreg:$0x1];
	p0 =	sne.s32 s2, $0x0  }
0x9a: {  	s3 =	rddreg [dreg:$0x2];
	[bflag:$0x3] =	sbarrier.arrive $0xFFFF;
	s2 =	simm.s32 @!p0 $0x1C01  }
0x9b: {  	[timem:s3], [sflag:s2] =	dma.local @!p0 [hbm:s0], s1  }
0x9c: {  	s0 =	simm.s32 @!p0 $0x1  }
0x9d: {  	_ =	swait.ge @!p0 [sflag:s0], s1  }
0x9e: {  	s1 =	ssub.s32 @!p0 $0x0, s1;
	[sflag:s0] =	ssyncset.done @!p0 $0x0  }
0x9f: {  	[sflag:s0] =	ssyncadd.s32 @!p0 s1  }
0xa0: {  	[bflag:$0x3] =	sbarrier.arrive $0xFFFF  }
0xa1: {  	_ =	shalt  }

</sc_bundles>
